<compile_context>
chip_gen: v7x
topology: tpu7x:2x2x1
jax: 0.10.2.dev20260603
libtpu: 0.0.44.dev20260713+nightly
codegen_flags: <defaults>
</compile_context>

<pallas_src>
import functools

import jax
import jax.numpy as jnp
from jax import lax
from jax.experimental import pallas as pl
from jax.experimental.pallas import tpu as pltpu
from jax.experimental.pallas import tpu_sc as plsc

N = 10000
E = 320000
D = 128
DH = D // 2

NC = 2
NS = 16

CHUNK = 128
NCH = 158
NCHH = NCH // 2
EPT = NCH * CHUNK
E_PAD = NS * EPT
N_PAD = 10112
ROWS_PER_TILE = N_PAD // NS
NVEC = EPT // 16

_mesh = plsc.VectorSubcoreMesh(core_axis_name="c", subcore_axis_name="s")
_sc_params = pltpu.CompilerParams(use_tc_tiling_on_sc=False)


@functools.partial(
    pl.kernel,
    out_type=jax.ShapeDtypeStruct((NC * N_PAD, 16), jnp.float32),
    mesh=_mesh,
    scratch_types=[
        pltpu.VMEM((NCH, CHUNK), jnp.int32),
        pltpu.VMEM((CHUNK, 16), jnp.float32),
        pltpu.VMEM((CHUNK, 16), jnp.float32),
        pltpu.VMEM_SHARED((N_PAD, 16), jnp.float32),
    ],
    compiler_params=_sc_params,
)
def _sc_degree(dst_hbm, out, dst_v, ones_v, zeros_v, deg_sh):
    c = lax.axis_index("c")
    s = lax.axis_index("s")

    one16 = jnp.ones((16,), jnp.float32)
    zero16 = jnp.zeros((16,), jnp.float32)

    def fill(i, _):
        ones_v[i, :] = one16
        zeros_v[i, :] = zero16
        return 0

    lax.fori_loop(0, CHUNK, fill, 0)

    base = s * ROWS_PER_TILE
    nfull = ROWS_PER_TILE // CHUNK
    for k in range(nfull):
        pltpu.sync_copy(zeros_v, deg_sh.at[pl.ds(base + k * CHUNK, CHUNK)])
    rem = ROWS_PER_TILE - nfull * CHUNK
    if rem:
        pltpu.sync_copy(zeros_v.at[pl.ds(0, rem)],
                        deg_sh.at[pl.ds(base + nfull * CHUNK, rem)])

    pltpu.sync_copy(dst_hbm.at[s], dst_v)
    plsc.subcore_barrier()

    lo = c * NCHH

    def body(j, _):
        pltpu.sync_copy(ones_v, deg_sh.at[dst_v.at[lo + j]], add=True)
        return 0

    lax.fori_loop(0, NCHH, body, 0)
    plsc.subcore_barrier()

    pltpu.sync_copy(deg_sh.at[pl.ds(base, ROWS_PER_TILE)],
                    out.at[pl.ds(c * N_PAD + base, ROWS_PER_TILE)])


@functools.partial(
    pl.kernel,
    out_type=jax.ShapeDtypeStruct((NC * N_PAD, DH), jnp.float32),
    mesh=_mesh,
    scratch_types=[
        pltpu.VMEM((EPT,), jnp.int32),
        pltpu.VMEM((NCH, CHUNK), jnp.int32),
        pltpu.VMEM((CHUNK, DH), jnp.float32),
        pltpu.VMEM((CHUNK, DH), jnp.float32),
        pltpu.VMEM_SHARED((N_PAD, DH), jnp.float32),
        pltpu.SemaphoreType.DMA,
    ],
    compiler_params=_sc_params,
)
def _sc_scatter(g_hbm, src_hbm, dst_hbm, out,
                src_v, dst_v, rows_v, zeros_v, acc_sh, sem):
    c = lax.axis_index("c")
    s = lax.axis_index("s")

    zero16 = jnp.zeros((16,), jnp.float32)

    def fill(i, _):
        for j in range(DH // 16):
            zeros_v[i, pl.ds(j * 16, 16)] = zero16
        return 0

    lax.fori_loop(0, CHUNK, fill, 0)

    base = s * ROWS_PER_TILE
    nfull = ROWS_PER_TILE // CHUNK
    for k in range(nfull):
        pltpu.sync_copy(zeros_v, acc_sh.at[pl.ds(base + k * CHUNK, CHUNK)])
    rem = ROWS_PER_TILE - nfull * CHUNK
    if rem:
        pltpu.sync_copy(zeros_v.at[pl.ds(0, rem)],
                        acc_sh.at[pl.ds(base + nfull * CHUNK, rem)])

    pltpu.sync_copy(src_hbm.at[s], src_v)
    pltpu.sync_copy(dst_hbm.at[s], dst_v)

    off = c * N_PAD

    def adjust(i, _):
        src_v[pl.ds(i * 16, 16)] = src_v[pl.ds(i * 16, 16)] + off
        return 0

    lax.fori_loop(0, NVEC, adjust, 0)
    plsc.subcore_barrier()

    def body(j, _):
        pltpu.async_copy(g_hbm.at[src_v.at[pl.ds(j * CHUNK, CHUNK)]],
                         rows_v, sem).wait()
        pltpu.sync_copy(rows_v, acc_sh.at[dst_v.at[j]], add=True)
        return 0

    lax.fori_loop(0, NCH, body, 0)
    plsc.subcore_barrier()

    pltpu.sync_copy(acc_sh.at[pl.ds(base, ROWS_PER_TILE)],
                    out.at[pl.ds(c * N_PAD + base, ROWS_PER_TILE)])


_RB = 1264
_GRID = N_PAD // _RB


def _dinv(deg_ref):
    deg = deg_ref[0, :, 0:1] + deg_ref[1, :, 0:1] + 1.0
    return lax.rsqrt(deg)


def _cat(ref):
    a = ref[...]
    return jnp.concatenate([a[0], a[1]], axis=-1)


def _store_split(ref, val):
    ref[0] = val[:, :DH]
    ref[1] = val[:, DH:]


def _tc1_body(x_ref, w1_ref, deg_ref, g1_ref):
    dinv = _dinv(deg_ref)
    res = dinv * jnp.dot(x_ref[...], w1_ref[...],
                         preferred_element_type=jnp.float32)
    _store_split(g1_ref, res)


def _tc2_body(acc_ref, g1_ref, deg_ref, b1_ref, w2_ref, g2_ref):
    dinv = _dinv(deg_ref)
    z = dinv * (_cat(acc_ref) + _cat(g1_ref)) + b1_ref[...]
    r = jnp.maximum(z, 0.0)
    res = dinv * jnp.dot(r, w2_ref[...], preferred_element_type=jnp.float32)
    _store_split(g2_ref, res)


def _tc3_body(acc_ref, g2_ref, deg_ref, b2_ref, out_ref):
    dinv = _dinv(deg_ref)
    out_ref[...] = dinv * (_cat(acc_ref) + _cat(g2_ref)) + b2_ref[...]


_row_spec = pl.BlockSpec((_RB, D), lambda i: (i, 0))
_half_spec = pl.BlockSpec((NC, _RB, DH), lambda i: (0, i, 0))
_deg_spec = pl.BlockSpec((NC, _RB, 16), lambda i: (0, i, 0))
_w_spec = pl.BlockSpec((D, D), lambda i: (0, 0))
_b_spec = pl.BlockSpec((1, D), lambda i: (0, 0))
_f32 = jnp.float32

_split_shape = jax.ShapeDtypeStruct((NC, N_PAD, DH), _f32)

_tc1 = pl.pallas_call(
    _tc1_body,
    grid=(_GRID,),
    in_specs=[_row_spec, _w_spec, _deg_spec],
    out_specs=_half_spec,
    out_shape=_split_shape,
)

_tc2 = pl.pallas_call(
    _tc2_body,
    grid=(_GRID,),
    in_specs=[_half_spec, _half_spec, _deg_spec, _b_spec, _w_spec],
    out_specs=_half_spec,
    out_shape=_split_shape,
)

_tc3 = pl.pallas_call(
    _tc3_body,
    grid=(_GRID,),
    in_specs=[_half_spec, _half_spec, _deg_spec, _b_spec],
    out_specs=_row_spec,
    out_shape=jax.ShapeDtypeStruct((N_PAD, D), _f32),
)


def kernel(x, edge_index, W1, b1, W2, b2):
    src = edge_index[0].astype(jnp.int32)
    dst = edge_index[1].astype(jnp.int32)
    src_p = jnp.zeros((E_PAD,), jnp.int32).at[:E].set(src).reshape(NS, EPT)
    dst_p = jnp.full((E_PAD,), N, jnp.int32).at[:E].set(dst).reshape(
        NS, NCH, CHUNK)
    x_pad = jnp.pad(x, ((0, N_PAD - N), (0, 0)))
    b1r = b1.reshape(1, D)
    b2r = b2.reshape(1, D)

    deg = _sc_degree(dst_p).reshape(NC, N_PAD, 16)
    g1 = _tc1(x_pad, W1, deg)
    acc1 = _sc_scatter(g1.reshape(NC * N_PAD, DH), src_p, dst_p)
    g2 = _tc2(acc1.reshape(NC, N_PAD, DH), g1, deg, b1r, W2)
    acc2 = _sc_scatter(g2.reshape(NC * N_PAD, DH), src_p, dst_p)
    out = _tc3(acc2.reshape(NC, N_PAD, DH), g2, deg, b2r)
    return out[:N]

# --- scband reference (transcript-rebuilt; emitter-appended) ---
"""Pipeline reference for scband-gcnencoder-61220463837357 (READ-ONLY COPY).

The authoritative reference and input builder live on the scoring server;
editing this copy changes nothing except your own understanding.
"""

import jax, jax.numpy as jnp
import numpy as np

N_NODES = 10000
N_EDGES = 320000
D_IN = 128
D_HID = 128


def setup_inputs(seed: int = 0) -> dict:
    key = jax.random.key(seed)
    k1, k2, k3, k4, k5, k6 = jax.random.split(key, 6)
    x = jax.random.normal(k1, (N_NODES, D_IN), dtype=jnp.float32)
    edge_index = jax.random.randint(k2, (2, N_EDGES), 0, N_NODES, dtype=jnp.int64)
    # Glorot-style init for GCN weights, zeros for biases (PyG default)
    s1 = np.sqrt(6.0 / (D_IN + D_HID))
    W1 = jax.random.uniform(k3, (D_IN, D_HID), dtype=jnp.float32, minval=-s1, maxval=s1)
    b1 = jnp.zeros((D_HID,), dtype=jnp.float32)
    s2 = np.sqrt(6.0 / (D_HID + D_HID))
    W2 = jax.random.uniform(k4, (D_HID, D_HID), dtype=jnp.float32, minval=-s2, maxval=s2)
    b2 = jnp.zeros((D_HID,), dtype=jnp.float32)
    return {"x": x, "edge_index": edge_index, "W1": W1, "b1": b1, "W2": W2, "b2": b2}


def _gcn_conv(x, src, dst, norm, W, b):
    n = x.shape[0]
    h = x @ W
    msgs = h[src] * norm[:, None]
    out = jnp.zeros((n, h.shape[1]), dtype=h.dtype).at[dst].add(msgs)
    return out + b


def _build_norm(edge_index, n):
    # add self-loops
    loop = jnp.arange(n, dtype=edge_index.dtype)
    src = jnp.concatenate([edge_index[0], loop])
    dst = jnp.concatenate([edge_index[1], loop])
    deg = jnp.zeros((n,), dtype=jnp.float32).at[dst].add(1.0)
    dinv = jnp.where(deg > 0, 1.0 / jnp.sqrt(deg), 0.0)
    norm = dinv[src] * dinv[dst]
    return src, dst, norm


def reference(x, edge_index, W1, b1, W2, b2):
    n = x.shape[0]
    src, dst, norm = _build_norm(edge_index, n)
    h = _gcn_conv(x, src, dst, norm, W1, b1)
    h = jax.nn.relu(h)
    out = _gcn_conv(h, src, dst, norm, W2, b2)
    return out

if __name__ == "__main__":
    import jax
    _d = setup_inputs()
    print(jax.jit(kernel)(*tuple(_d.values())))

</pallas_src>

<mosaic_0001>
#map = affine_map<(d0, d1) -> (0, 0)>
#map1 = affine_map<(d0, d1) -> (0, 0, 0)>
module attributes {stable_mosaic.version = 14 : i64} {
  func.func @_sc_scatter(%arg0: i32, %arg1: i32, %arg2: memref<20224x64xf32, #tpu.memory_space<hbm>>, %arg3: memref<16x20224xi32, #tpu.memory_space<hbm>>, %arg4: memref<16x158x128xi32, #tpu.memory_space<hbm>>, %arg5: memref<20224x64xf32, #tpu.memory_space<hbm>>, %arg6: memref<20224xi32, #tpu.memory_space<vmem>>, %arg7: memref<158x128xi32, #tpu.memory_space<vmem>>, %arg8: memref<128x64xf32, #tpu.memory_space<vmem>>, %arg9: memref<128x64xf32, #tpu.memory_space<vmem>>, %arg10: memref<10112x64xf32, #tpu.memory_space<vmem_shared>>, %arg11: memref<!tpu.dma_semaphore, #tpu.memory_space<semaphore_mem>>) attributes {dimension_semantics = [#tpu.dimension_semantics<core_parallel>, #tpu.dimension_semantics<subcore_parallel>], iteration_bounds = array<i64: 2, 16>, scalar_prefetch = 0 : i64, scratch_operands = 6 : i64, tpu.core_type = #tpu.core_type<sc_vector_subcore>, window_params = [{transform_indices = #map}, {transform_indices = #map}, {transform_indices = #map1}, {transform_indices = #map}]} {
    %broadcast_in_dim3A = arith.constant 0.000000e+00 : f32
    %broadcast_in_dim3A_0 = vector.broadcast %broadcast_in_dim3A : f32 to vector<16xf32>
    %scan3A = arith.constant 0 : i32
    %scan3A_1 = arith.constant 0 : i32
    %scan3A_2 = arith.constant 128 : i32
    %scan3A_3 = arith.addi %scan3A_1, %scan3A_2 : i32
    %scan3A_4 = arith.constant 1 : i32
    %scan3A_5 = scf.for %scan3A_37 = %scan3A_1 to %scan3A_3 step %scan3A_4 iter_args(%scan3A_38 = %scan3A) -> (i32)  : i32 {
      %swap3A = arith.index_cast %scan3A_37 : i32 to index
      %swap3A_39 = arith.constant 0 : index
      %swap3A_40 = tpu.vector_load %arg9[%swap3A, %swap3A_39] {strides = array<i32>} : memref<128x64xf32, #tpu.memory_space<vmem>>, vector<1x16xf32>,
      %swap3A_41 = vector.shape_cast %swap3A_40 : vector<1x16xf32> to vector<16xf32>
      %swap3A_42 = vector.shape_cast %broadcast_in_dim3A_0 : vector<16xf32> to vector<1x16xf32>
      tpu.vector_store %arg9[%swap3A, %swap3A_39], %swap3A_42 {strides = array<i32>} : memref<128x64xf32, #tpu.memory_space<vmem>>, vector<1x16xf32>,
      %swap3A_43 = arith.index_cast %scan3A_37 : i32 to index
      %swap3A_44 = arith.constant 16 : index
      %swap3A_45 = tpu.vector_load %arg9[%swap3A_43, %swap3A_44] {strides = array<i32>} : memref<128x64xf32, #tpu.memory_space<vmem>>, vector<1x16xf32>,
      %swap3A_46 = vector.shape_cast %swap3A_45 : vector<1x16xf32> to vector<16xf32>
      %swap3A_47 = vector.shape_cast %broadcast_in_dim3A_0 : vector<16xf32> to vector<1x16xf32>
      tpu.vector_store %arg9[%swap3A_43, %swap3A_44], %swap3A_47 {strides = array<i32>} : memref<128x64xf32, #tpu.memory_space<vmem>>, vector<1x16xf32>,
      %swap3A_48 = arith.index_cast %scan3A_37 : i32 to index
      %swap3A_49 = arith.constant 32 : index
      %swap3A_50 = tpu.vector_load %arg9[%swap3A_48, %swap3A_49] {strides = array<i32>} : memref<128x64xf32, #tpu.memory_space<vmem>>, vector<1x16xf32>,
      %swap3A_51 = vector.shape_cast %swap3A_50 : vector<1x16xf32> to vector<16xf32>
      %swap3A_52 = vector.shape_cast %broadcast_in_dim3A_0 : vector<16xf32> to vector<1x16xf32>
      tpu.vector_store %arg9[%swap3A_48, %swap3A_49], %swap3A_52 {strides = array<i32>} : memref<128x64xf32, #tpu.memory_space<vmem>>, vector<1x16xf32>,
      %swap3A_53 = arith.index_cast %scan3A_37 : i32 to index
      %swap3A_54 = arith.constant 48 : index
      %swap3A_55 = tpu.vector_load %arg9[%swap3A_53, %swap3A_54] {strides = array<i32>} : memref<128x64xf32, #tpu.memory_space<vmem>>, vector<1x16xf32>,
      %swap3A_56 = vector.shape_cast %swap3A_55 : vector<1x16xf32> to vector<16xf32>
      %swap3A_57 = vector.shape_cast %broadcast_in_dim3A_0 : vector<16xf32> to vector<1x16xf32>
      tpu.vector_store %arg9[%swap3A_53, %swap3A_54], %swap3A_57 {strides = array<i32>} : memref<128x64xf32, #tpu.memory_space<vmem>>, vector<1x16xf32>,
      %scan3A_58 = arith.constant 0 : i32
      scf.yield %scan3A_58 : i32
    }
    %scan3A_6 = arith.constant 128 : i32
    %mul3A = arith.constant 632 : i32
    %mul3A_7 = arith.muli %arg1, %mul3A : i32
    %add3A = arith.constant 0 : i32
    %add3A_8 = arith.addi %mul3A_7, %add3A : i32
    "tpu.region"() ({
      %run_scoped3A = tpu.sem_alloc : memref<!tpu.dma_semaphore, #tpu.memory_space<semaphore_mem>>
      %dma_start3A = arith.constant 0 : i32
      %dma_start3A_37 = tpu.memref_slice %arg10[%add3A_8, %dma_start3A] : memref<10112x64xf32, #tpu.memory_space<vmem_shared>> -> memref<128x64xf32, #tpu.memory_space<vmem_shared>>
      %dma_start3A_38 = arith.constant 0 : i32
      %dma_start3A_39 = tpu.memref_slice %arg10[%add3A_8, %dma_start3A_38] : memref<10112x64xf32, #tpu.memory_space<vmem_shared>> -> memref<128x64xf32, #tpu.memory_space<vmem_shared>>
      tpu.enqueue_dma source(%arg9 : memref<128x64xf32, #tpu.memory_space<vmem>>) target(%dma_start3A_39 : memref<128x64xf32, #tpu.memory_space<vmem_shared>>) target_semaphore(%run_scoped3A : memref<!tpu.dma_semaphore, #tpu.memory_space<semaphore_mem>>)
      %dma_wait3A = arith.constant 0 : i32
      %dma_wait3A_40 = tpu.memref_slice %arg10[%add3A_8, %dma_wait3A] : memref<10112x64xf32, #tpu.memory_space<vmem_shared>> -> memref<128x64xf32, #tpu.memory_space<vmem_shared>>
      %dma_wait3A_41 = arith.constant 0 : i32
      %dma_wait3A_42 = tpu.memref_slice %arg10[%add3A_8, %dma_wait3A_41] : memref<10112x64xf32, #tpu.memory_space<vmem_shared>> -> memref<128x64xf32, #tpu.memory_space<vmem_shared>>
      tpu.wait_dma2 semaphore(%run_scoped3A : memref<!tpu.dma_semaphore, #tpu.memory_space<semaphore_mem>>) src(%arg9 : memref<128x64xf32, #tpu.memory_space<vmem>>) dst(%dma_wait3A_42 : memref<128x64xf32, #tpu.memory_space<vmem_shared>>)
      tpu.yield
    }) : () -> ()
    %add3A_9 = arith.constant 128 : i32
    %add3A_10 = arith.addi %mul3A_7, %add3A_9 : i32
    "tpu.region"() ({
      %run_scoped3A = tpu.sem_alloc : memref<!tpu.dma_semaphore, #tpu.memory_space<semaphore_mem>>
      %dma_start3A = arith.constant 0 : i32
      %dma_start3A_37 = tpu.memref_slice %arg10[%add3A_10, %dma_start3A] : memref<10112x64xf32, #tpu.memory_space<vmem_shared>> -> memref<128x64xf32, #tpu.memory_space<vmem_shared>>
      %dma_start3A_38 = arith.constant 0 : i32
      %dma_start3A_39 = tpu.memref_slice %arg10[%add3A_10, %dma_start3A_38] : memref<10112x64xf32, #tpu.memory_space<vmem_shared>> -> memref<128x64xf32, #tpu.memory_space<vmem_shared>>
      tpu.enqueue_dma source(%arg9 : memref<128x64xf32, #tpu.memory_space<vmem>>) target(%dma_start3A_39 : memref<128x64xf32, #tpu.memory_space<vmem_shared>>) target_semaphore(%run_scoped3A : memref<!tpu.dma_semaphore, #tpu.memory_space<semaphore_mem>>)
      %dma_wait3A = arith.constant 0 : i32
      %dma_wait3A_40 = tpu.memref_slice %arg10[%add3A_10, %dma_wait3A] : memref<10112x64xf32, #tpu.memory_space<vmem_shared>> -> memref<128x64xf32, #tpu.memory_space<vmem_shared>>
      %dma_wait3A_41 = arith.constant 0 : i32
      %dma_wait3A_42 = tpu.memref_slice %arg10[%add3A_10, %dma_wait3A_41] : memref<10112x64xf32, #tpu.memory_space<vmem_shared>> -> memref<128x64xf32, #tpu.memory_space<vmem_shared>>
      tpu.wait_dma2 semaphore(%run_scoped3A : memref<!tpu.dma_semaphore, #tpu.memory_space<semaphore_mem>>) src(%arg9 : memref<128x64xf32, #tpu.memory_space<vmem>>) dst(%dma_wait3A_42 : memref<128x64xf32, #tpu.memory_space<vmem_shared>>)
      tpu.yield
    }) : () -> ()
    %add3A_11 = arith.constant 256 : i32
    %add3A_12 = arith.addi %mul3A_7, %add3A_11 : i32
    "tpu.region"() ({
      %run_scoped3A = tpu.sem_alloc : memref<!tpu.dma_semaphore, #tpu.memory_space<semaphore_mem>>
      %dma_start3A = arith.constant 0 : i32
      %dma_start3A_37 = tpu.memref_slice %arg10[%add3A_12, %dma_start3A] : memref<10112x64xf32, #tpu.memory_space<vmem_shared>> -> memref<128x64xf32, #tpu.memory_space<vmem_shared>>
      %dma_start3A_38 = arith.constant 0 : i32
      %dma_start3A_39 = tpu.memref_slice %arg10[%add3A_12, %dma_start3A_38] : memref<10112x64xf32, #tpu.memory_space<vmem_shared>> -> memref<128x64xf32, #tpu.memory_space<vmem_shared>>
      tpu.enqueue_dma source(%arg9 : memref<128x64xf32, #tpu.memory_space<vmem>>) target(%dma_start3A_39 : memref<128x64xf32, #tpu.memory_space<vmem_shared>>) target_semaphore(%run_scoped3A : memref<!tpu.dma_semaphore, #tpu.memory_space<semaphore_mem>>)
      %dma_wait3A = arith.constant 0 : i32
      %dma_wait3A_40 = tpu.memref_slice %arg10[%add3A_12, %dma_wait3A] : memref<10112x64xf32, #tpu.memory_space<vmem_shared>> -> memref<128x64xf32, #tpu.memory_space<vmem_shared>>
      %dma_wait3A_41 = arith.constant 0 : i32
      %dma_wait3A_42 = tpu.memref_slice %arg10[%add3A_12, %dma_wait3A_41] : memref<10112x64xf32, #tpu.memory_space<vmem_shared>> -> memref<128x64xf32, #tpu.memory_space<vmem_shared>>
      tpu.wait_dma2 semaphore(%run_scoped3A : memref<!tpu.dma_semaphore, #tpu.memory_space<semaphore_mem>>) src(%arg9 : memref<128x64xf32, #tpu.memory_space<vmem>>) dst(%dma_wait3A_42 : memref<128x64xf32, #tpu.memory_space<vmem_shared>>)
      tpu.yield
    }) : () -> ()
    %add3A_13 = arith.constant 384 : i32
    %add3A_14 = arith.addi %mul3A_7, %add3A_13 : i32
    "tpu.region"() ({
      %run_scoped3A = tpu.sem_alloc : memref<!tpu.dma_semaphore, #tpu.memory_space<semaphore_mem>>
      %dma_start3A = arith.constant 0 : i32
      %dma_start3A_37 = tpu.memref_slice %arg10[%add3A_14, %dma_start3A] : memref<10112x64xf32, #tpu.memory_space<vmem_shared>> -> memref<128x64xf32, #tpu.memory_space<vmem_shared>>
      %dma_start3A_38 = arith.constant 0 : i32
      %dma_start3A_39 = tpu.memref_slice %arg10[%add3A_14, %dma_start3A_38] : memref<10112x64xf32, #tpu.memory_space<vmem_shared>> -> memref<128x64xf32, #tpu.memory_space<vmem_shared>>
      tpu.enqueue_dma source(%arg9 : memref<128x64xf32, #tpu.memory_space<vmem>>) target(%dma_start3A_39 : memref<128x64xf32, #tpu.memory_space<vmem_shared>>) target_semaphore(%run_scoped3A : memref<!tpu.dma_semaphore, #tpu.memory_space<semaphore_mem>>)
      %dma_wait3A = arith.constant 0 : i32
      %dma_wait3A_40 = tpu.memref_slice %arg10[%add3A_14, %dma_wait3A] : memref<10112x64xf32, #tpu.memory_space<vmem_shared>> -> memref<128x64xf32, #tpu.memory_space<vmem_shared>>
      %dma_wait3A_41 = arith.constant 0 : i32
      %dma_wait3A_42 = tpu.memref_slice %arg10[%add3A_14, %dma_wait3A_41] : memref<10112x64xf32, #tpu.memory_space<vmem_shared>> -> memref<128x64xf32, #tpu.memory_space<vmem_shared>>
      tpu.wait_dma2 semaphore(%run_scoped3A : memref<!tpu.dma_semaphore, #tpu.memory_space<semaphore_mem>>) src(%arg9 : memref<128x64xf32, #tpu.memory_space<vmem>>) dst(%dma_wait3A_42 : memref<128x64xf32, #tpu.memory_space<vmem_shared>>)
      tpu.yield
    }) : () -> ()
    %add3A_15 = arith.constant 512 : i32
    %add3A_16 = arith.addi %mul3A_7, %add3A_15 : i32
    "tpu.region"() ({
      %run_scoped3A = tpu.sem_alloc : memref<!tpu.dma_semaphore, #tpu.memory_space<semaphore_mem>>
      %dma_start3A = arith.constant 0 : i32
      %dma_start3A_37 = arith.constant 0 : i32
      %dma_start3A_38 = tpu.memref_slice %arg9[%dma_start3A, %dma_start3A_37] : memref<128x64xf32, #tpu.memory_space<vmem>> -> memref<120x64xf32, #tpu.memory_space<vmem>>
      %dma_start3A_39 = arith.constant 0 : i32
      %dma_start3A_40 = tpu.memref_slice %arg10[%add3A_16, %dma_start3A_39] : memref<10112x64xf32, #tpu.memory_space<vmem_shared>> -> memref<120x64xf32, #tpu.memory_space<vmem_shared>>
      %dma_start3A_41 = arith.constant 0 : i32
      %dma_start3A_42 = tpu.memref_slice %arg10[%add3A_16, %dma_start3A_41] : memref<10112x64xf32, #tpu.memory_space<vmem_shared>> -> memref<120x64xf32, #tpu.memory_space<vmem_shared>>
      %dma_start3A_43 = arith.constant 0 : i32
      %dma_start3A_44 = arith.constant 0 : i32
      %dma_start3A_45 = tpu.memref_slice %arg9[%dma_start3A_43, %dma_start3A_44] : memref<128x64xf32, #tpu.memory_space<vmem>> -> memref<120x64xf32, #tpu.memory_space<vmem>>
      tpu.enqueue_dma source(%dma_start3A_45 : memref<120x64xf32, #tpu.memory_space<vmem>>) target(%dma_start3A_42 : memref<120x64xf32, #tpu.memory_space<vmem_shared>>) target_semaphore(%run_scoped3A : memref<!tpu.dma_semaphore, #tpu.memory_space<semaphore_mem>>)
      %dma_wait3A = arith.constant 0 : i32
      %dma_wait3A_46 = arith.constant 0 : i32
      %dma_wait3A_47 = tpu.memref_slice %arg9[%dma_wait3A, %dma_wait3A_46] : memref<128x64xf32, #tpu.memory_space<vmem>> -> memref<120x64xf32, #tpu.memory_space<vmem>>
      %dma_wait3A_48 = arith.constant 0 : i32
      %dma_wait3A_49 = tpu.memref_slice %arg10[%add3A_16, %dma_wait3A_48] : memref<10112x64xf32, #tpu.memory_space<vmem_shared>> -> memref<120x64xf32, #tpu.memory_space<vmem_shared>>
      %dma_wait3A_50 = arith.constant 0 : i32
      %dma_wait3A_51 = tpu.memref_slice %arg10[%add3A_16, %dma_wait3A_50] : memref<10112x64xf32, #tpu.memory_space<vmem_shared>> -> memref<120x64xf32, #tpu.memory_space<vmem_shared>>
      %dma_wait3A_52 = arith.constant 0 : i32
      %dma_wait3A_53 = arith.constant 0 : i32
      %dma_wait3A_54 = tpu.memref_slice %arg9[%dma_wait3A_52, %dma_wait3A_53] : memref<128x64xf32, #tpu.memory_space<vmem>> -> memref<120x64xf32, #tpu.memory_space<vmem>>
      tpu.wait_dma2 semaphore(%run_scoped3A : memref<!tpu.dma_semaphore, #tpu.memory_space<semaphore_mem>>) src(%dma_wait3A_54 : memref<120x64xf32, #tpu.memory_space<vmem>>) dst(%dma_wait3A_51 : memref<120x64xf32, #tpu.memory_space<vmem_shared>>)
      tpu.yield
    }) : () -> ()
    "tpu.region"() ({
      %run_scoped3A = tpu.sem_alloc : memref<!tpu.dma_semaphore, #tpu.memory_space<semaphore_mem>>
      %dma_start3A = arith.constant 0 : i32
      %dma_start3A_37 = tpu.memref_slice %arg3[%arg1, %dma_start3A] : memref<16x20224xi32, #tpu.memory_space<hbm>> -> memref<1x20224xi32, #tpu.memory_space<hbm>>
      %dma_start3A_38 = tpu.memref_squeeze %dma_start3A_37 : memref<1x20224xi32, #tpu.memory_space<hbm>> -> memref<20224xi32, #tpu.memory_space<hbm>>
      %dma_start3A_39 = arith.constant 0 : i32
      %dma_start3A_40 = tpu.memref_slice %arg3[%arg1, %dma_start3A_39] : memref<16x20224xi32, #tpu.memory_space<hbm>> -> memref<1x20224xi32, #tpu.memory_space<hbm>>
      %dma_start3A_41 = tpu.memref_squeeze %dma_start3A_40 : memref<1x20224xi32, #tpu.memory_space<hbm>> -> memref<20224xi32, #tpu.memory_space<hbm>>
      tpu.enqueue_dma source(%dma_start3A_41 : memref<20224xi32, #tpu.memory_space<hbm>>) target(%arg6 : memref<20224xi32, #tpu.memory_space<vmem>>) target_semaphore(%run_scoped3A : memref<!tpu.dma_semaphore, #tpu.memory_space<semaphore_mem>>)
      %dma_wait3A = arith.constant 0 : i32
      %dma_wait3A_42 = tpu.memref_slice %arg3[%arg1, %dma_wait3A] : memref<16x20224xi32, #tpu.memory_space<hbm>> -> memref<1x20224xi32, #tpu.memory_space<hbm>>
      %dma_wait3A_43 = tpu.memref_squeeze %dma_wait3A_42 : memref<1x20224xi32, #tpu.memory_space<hbm>> -> memref<20224xi32, #tpu.memory_space<hbm>>
      %dma_wait3A_44 = arith.constant 0 : i32
      %dma_wait3A_45 = tpu.memref_slice %arg3[%arg1, %dma_wait3A_44] : memref<16x20224xi32, #tpu.memory_space<hbm>> -> memref<1x20224xi32, #tpu.memory_space<hbm>>
      %dma_wait3A_46 = tpu.memref_squeeze %dma_wait3A_45 : memref<1x20224xi32, #tpu.memory_space<hbm>> -> memref<20224xi32, #tpu.memory_space<hbm>>
      tpu.wait_dma2 semaphore(%run_scoped3A : memref<!tpu.dma_semaphore, #tpu.memory_space<semaphore_mem>>) src(%dma_wait3A_46 : memref<20224xi32, #tpu.memory_space<hbm>>) dst(%arg6 : memref<20224xi32, #tpu.memory_space<vmem>>)
      tpu.yield
    }) : () -> ()
    "tpu.region"() ({
      %run_scoped3A = tpu.sem_alloc : memref<!tpu.dma_semaphore, #tpu.memory_space<semaphore_mem>>
      %dma_start3A = arith.constant 0 : i32
      %dma_start3A_37 = arith.constant 0 : i32
      %dma_start3A_38 = tpu.memref_slice %arg4[%arg1, %dma_start3A, %dma_start3A_37] : memref<16x158x128xi32, #tpu.memory_space<hbm>> -> memref<1x158x128xi32, #tpu.memory_space<hbm>>
      %dma_start3A_39 = tpu.memref_squeeze %dma_start3A_38 : memref<1x158x128xi32, #tpu.memory_space<hbm>> -> memref<158x128xi32, #tpu.memory_space<hbm>>
      %dma_start3A_40 = arith.constant 0 : i32
      %dma_start3A_41 = arith.constant 0 : i32
      %dma_start3A_42 = tpu.memref_slice %arg4[%arg1, %dma_start3A_40, %dma_start3A_41] : memref<16x158x128xi32, #tpu.memory_space<hbm>> -> memref<1x158x128xi32, #tpu.memory_space<hbm>>
      %dma_start3A_43 = tpu.memref_squeeze %dma_start3A_42 : memref<1x158x128xi32, #tpu.memory_space<hbm>> -> memref<158x128xi32, #tpu.memory_space<hbm>>
      tpu.enqueue_dma source(%dma_start3A_43 : memref<158x128xi32, #tpu.memory_space<hbm>>) target(%arg7 : memref<158x128xi32, #tpu.memory_space<vmem>>) target_semaphore(%run_scoped3A : memref<!tpu.dma_semaphore, #tpu.memory_space<semaphore_mem>>)
      %dma_wait3A = arith.constant 0 : i32
      %dma_wait3A_44 = arith.constant 0 : i32
      %dma_wait3A_45 = tpu.memref_slice %arg4[%arg1, %dma_wait3A, %dma_wait3A_44] : memref<16x158x128xi32, #tpu.memory_space<hbm>> -> memref<1x158x128xi32, #tpu.memory_space<hbm>>
      %dma_wait3A_46 = tpu.memref_squeeze %dma_wait3A_45 : memref<1x158x128xi32, #tpu.memory_space<hbm>> -> memref<158x128xi32, #tpu.memory_space<hbm>>
      %dma_wait3A_47 = arith.constant 0 : i32
      %dma_wait3A_48 = arith.constant 0 : i32
      %dma_wait3A_49 = tpu.memref_slice %arg4[%arg1, %dma_wait3A_47, %dma_wait3A_48] : memref<16x158x128xi32, #tpu.memory_space<hbm>> -> memref<1x158x128xi32, #tpu.memory_space<hbm>>
      %dma_wait3A_50 = tpu.memref_squeeze %dma_wait3A_49 : memref<1x158x128xi32, #tpu.memory_space<hbm>> -> memref<158x128xi32, #tpu.memory_space<hbm>>
      tpu.wait_dma2 semaphore(%run_scoped3A : memref<!tpu.dma_semaphore, #tpu.memory_space<semaphore_mem>>) src(%dma_wait3A_50 : memref<158x128xi32, #tpu.memory_space<hbm>>) dst(%arg7 : memref<158x128xi32, #tpu.memory_space<vmem>>)
      tpu.yield
    }) : () -> ()
    %mul3A_17 = arith.constant 10112 : i32
    %mul3A_18 = arith.muli %arg0, %mul3A_17 : i32
    %scan3A_19 = arith.constant 0 : i32
    %scan3A_20 = arith.constant 0 : i32
    %scan3A_21 = arith.constant 1264 : i32
    %scan3A_22 = arith.addi %scan3A_20, %scan3A_21 : i32
    %scan3A_23 = arith.constant 1 : i32
    %scan3A_24 = scf.for %scan3A_37 = %scan3A_20 to %scan3A_22 step %scan3A_23 iter_args(%scan3A_38 = %scan3A_19) -> (i32)  : i32 {
      %mul3A_39 = arith.constant 16 : i32
      %mul3A_40 = arith.muli %scan3A_37, %mul3A_39 : i32
      %get3A = arith.index_cast %mul3A_40 : i32 to index
      %get3A_41 = tpu.vector_load %arg6[%get3A] {strides = array<i32>} : memref<20224xi32, #tpu.memory_space<vmem>>, vector<16xi32>,
      %get3A_42 = vector.shape_cast %get3A_41 : vector<16xi32> to vector<16xi32>
      %add3A_43 = vector.broadcast %mul3A_18 : i32 to vector<16xi32>
      %add3A_44 = arith.addi %get3A_42, %add3A_43 : vector<16xi32>
      %mul3A_45 = arith.constant 16 : i32
      %mul3A_46 = arith.muli %scan3A_37, %mul3A_45 : i32
      %swap3A = arith.index_cast %mul3A_46 : i32 to index
      %swap3A_47 = tpu.vector_load %arg6[%swap3A] {strides = array<i32>} : memref<20224xi32, #tpu.memory_space<vmem>>, vector<16xi32>,
      %swap3A_48 = vector.shape_cast %swap3A_47 : vector<16xi32> to vector<16xi32>
      %swap3A_49 = vector.shape_cast %add3A_44 : vector<16xi32> to vector<16xi32>
      tpu.vector_store %arg6[%swap3A], %swap3A_49 {strides = array<i32>} : memref<20224xi32, #tpu.memory_space<vmem>>, vector<16xi32>,
      %scan3A_50 = arith.constant 0 : i32
      scf.yield %scan3A_50 : i32
    }
    %scan3A_25 = arith.constant 1264 : i32
    %barrier3A = arith.constant 0 : index
    tpu.barrier barrier_id(%barrier3A)
    %scan3A_26 = arith.constant 0 : i32
    %scan3A_27 = arith.constant 0 : i32
    %scan3A_28 = arith.constant 158 : i32
    %scan3A_29 = arith.addi %scan3A_27, %scan3A_28 : i32
    %scan3A_30 = arith.constant 1 : i32
    %scan3A_31 = scf.for %scan3A_37 = %scan3A_27 to %scan3A_29 step %scan3A_30 iter_args(%scan3A_38 = %scan3A_26) -> (i32)  : i32 {
      %mul3A_39 = arith.constant 128 : i32
      %mul3A_40 = arith.muli %scan3A_37, %mul3A_39 : i32
      %dma_start3A = tpu.memref_slice %arg6[%mul3A_40] : memref<20224xi32, #tpu.memory_space<vmem>> -> memref<128xi32, #tpu.memory_space<vmem>>
      %dma_start3A_41 = arith.constant 0 : i32
      %dma_start3A_42 = arith.constant 0 : i32
      %dma_start3A_43 = tpu.memref_slice %arg2[%dma_start3A_41, %dma_start3A_42] : memref<20224x64xf32, #tpu.memory_space<hbm>> -> memref<20224x64xf32, #tpu.memory_space<hbm>>
      tpu.enqueue_indirect_dma source(%dma_start3A_43 : memref<20224x64xf32, #tpu.memory_space<hbm>>) target(%arg8 : memref<128x64xf32, #tpu.memory_space<vmem>>) offsets(%dma_start3A : memref<128xi32, #tpu.memory_space<vmem>>) semaphore(%arg11 : memref<!tpu.dma_semaphore, #tpu.memory_space<semaphore_mem>>)
      %dma_wait3A = tpu.memref_slice %arg6[%mul3A_40] : memref<20224xi32, #tpu.memory_space<vmem>> -> memref<128xi32, #tpu.memory_space<vmem>>
      %dma_wait3A_44 = arith.constant 0 : i32
      %dma_wait3A_45 = arith.constant 0 : i32
      %dma_wait3A_46 = tpu.memref_slice %arg2[%dma_wait3A_44, %dma_wait3A_45] : memref<20224x64xf32, #tpu.memory_space<hbm>> -> memref<20224x64xf32, #tpu.memory_space<hbm>>
      tpu.wait_indirect_dma semaphore(%arg11 : memref<!tpu.dma_semaphore, #tpu.memory_space<semaphore_mem>>) src(%dma_wait3A_46 : memref<20224x64xf32, #tpu.memory_space<hbm>>) dst(%arg8 : memref<128x64xf32, #tpu.memory_space<vmem>>)
      "tpu.region"() ({
        %run_scoped3A = tpu.sem_alloc : memref<!tpu.dma_semaphore, #tpu.memory_space<semaphore_mem>>
        %dma_start3A_48 = arith.constant 0 : i32
        %dma_start3A_49 = tpu.memref_slice %arg7[%scan3A_37, %dma_start3A_48] : memref<158x128xi32, #tpu.memory_space<vmem>> -> memref<1x128xi32, #tpu.memory_space<vmem>>
        %dma_start3A_50 = tpu.memref_squeeze %dma_start3A_49 : memref<1x128xi32, #tpu.memory_space<vmem>> -> memref<128xi32, #tpu.memory_space<vmem>>
        %dma_start3A_51 = arith.constant 0 : i32
        %dma_start3A_52 = arith.constant 0 : i32
        %dma_start3A_53 = tpu.memref_slice %arg10[%dma_start3A_51, %dma_start3A_52] : memref<10112x64xf32, #tpu.memory_space<vmem_shared>> -> memref<10112x64xf32, #tpu.memory_space<vmem_shared>>
        tpu.enqueue_indirect_dma source(%arg8 : memref<128x64xf32, #tpu.memory_space<vmem>>) target(%dma_start3A_53 : memref<10112x64xf32, #tpu.memory_space<vmem_shared>>) offsets(%dma_start3A_50 : memref<128xi32, #tpu.memory_space<vmem>>) semaphore(%run_scoped3A : memref<!tpu.dma_semaphore, #tpu.memory_space<semaphore_mem>>) {add = true}
        %dma_wait3A_54 = arith.constant 0 : i32
        %dma_wait3A_55 = tpu.memref_slice %arg7[%scan3A_37, %dma_wait3A_54] : memref<158x128xi32, #tpu.memory_space<vmem>> -> memref<1x128xi32, #tpu.memory_space<vmem>>
        %dma_wait3A_56 = tpu.memref_squeeze %dma_wait3A_55 : memref<1x128xi32, #tpu.memory_space<vmem>> -> memref<128xi32, #tpu.memory_space<vmem>>
        %dma_wait3A_57 = arith.constant 0 : i32
        %dma_wait3A_58 = arith.constant 0 : i32
        %dma_wait3A_59 = tpu.memref_slice %arg10[%dma_wait3A_57, %dma_wait3A_58] : memref<10112x64xf32, #tpu.memory_space<vmem_shared>> -> memref<10112x64xf32, #tpu.memory_space<vmem_shared>>
        tpu.wait_indirect_dma semaphore(%run_scoped3A : memref<!tpu.dma_semaphore, #tpu.memory_space<semaphore_mem>>) src(%arg8 : memref<128x64xf32, #tpu.memory_space<vmem>>) dst(%dma_wait3A_59 : memref<10112x64xf32, #tpu.memory_space<vmem_shared>>)
        tpu.yield
      }) : () -> ()
      %scan3A_47 = arith.constant 0 : i32
      scf.yield %scan3A_47 : i32
    }
    %scan3A_32 = arith.constant 158 : i32
    %barrier3A_33 = arith.constant 0 : index
    tpu.barrier barrier_id(%barrier3A_33)
    %mul3A_34 = arith.constant 10112 : i32
    %mul3A_35 = arith.muli %arg0, %mul3A_34 : i32
    %add3A_36 = arith.addi %mul3A_35, %mul3A_7 : i32
    "tpu.region"() ({
      %run_scoped3A = tpu.sem_alloc : memref<!tpu.dma_semaphore, #tpu.memory_space<semaphore_mem>>
      %dma_start3A = arith.constant 0 : i32
      %dma_start3A_37 = tpu.memref_slice %arg5[%add3A_36, %dma_start3A] : memref<20224x64xf32, #tpu.memory_space<hbm>> -> memref<632x64xf32, #tpu.memory_space<hbm>>
      %dma_start3A_38 = arith.constant 0 : i32
      %dma_start3A_39 = tpu.memref_slice %arg10[%mul3A_7, %dma_start3A_38] : memref<10112x64xf32, #tpu.memory_space<vmem_shared>> -> memref<632x64xf32, #tpu.memory_space<vmem_shared>>
      tpu.enqueue_dma source(%dma_start3A_39 : memref<632x64xf32, #tpu.memory_space<vmem_shared>>) target(%dma_start3A_37 : memref<632x64xf32, #tpu.memory_space<hbm>>) target_semaphore(%run_scoped3A : memref<!tpu.dma_semaphore, #tpu.memory_space<semaphore_mem>>)
      %dma_wait3A = arith.constant 0 : i32
      %dma_wait3A_40 = tpu.memref_slice %arg5[%add3A_36, %dma_wait3A] : memref<20224x64xf32, #tpu.memory_space<hbm>> -> memref<632x64xf32, #tpu.memory_space<hbm>>
      %dma_wait3A_41 = arith.constant 0 : i32
      %dma_wait3A_42 = tpu.memref_slice %arg10[%mul3A_7, %dma_wait3A_41] : memref<10112x64xf32, #tpu.memory_space<vmem_shared>> -> memref<632x64xf32, #tpu.memory_space<vmem_shared>>
      tpu.wait_dma2 semaphore(%run_scoped3A : memref<!tpu.dma_semaphore, #tpu.memory_space<semaphore_mem>>) src(%dma_wait3A_42 : memref<632x64xf32, #tpu.memory_space<vmem_shared>>) dst(%dma_wait3A_40 : memref<632x64xf32, #tpu.memory_space<hbm>>)
      tpu.yield
    }) : () -> ()
    return
  }
}

#map = affine_map<(d0, d1) -> (0, 0, 0)>
#map1 = affine_map<(d0, d1) -> (0, 0)>
module attributes {stable_mosaic.version = 14 : i64} {
  func.func @_sc_degree(%arg0: i32, %arg1: i32, %arg2: memref<16x158x128xi32, #tpu.memory_space<hbm>>, %arg3: memref<20224x16xf32, #tpu.memory_space<hbm>>, %arg4: memref<158x128xi32, #tpu.memory_space<vmem>>, %arg5: memref<128x16xf32, #tpu.memory_space<vmem>>, %arg6: memref<128x16xf32, #tpu.memory_space<vmem>>, %arg7: memref<10112x16xf32, #tpu.memory_space<vmem_shared>>) attributes {dimension_semantics = [#tpu.dimension_semantics<core_parallel>, #tpu.dimension_semantics<subcore_parallel>], iteration_bounds = array<i64: 2, 16>, scalar_prefetch = 0 : i64, scratch_operands = 4 : i64, tpu.core_type = #tpu.core_type<sc_vector_subcore>, window_params = [{transform_indices = #map}, {transform_indices = #map1}]} {
    %broadcast_in_dim3A = arith.constant 1.000000e+00 : f32
    %broadcast_in_dim3A_0 = vector.broadcast %broadcast_in_dim3A : f32 to vector<16xf32>
    %broadcast_in_dim3A_1 = arith.constant 0.000000e+00 : f32
    %broadcast_in_dim3A_2 = vector.broadcast %broadcast_in_dim3A_1 : f32 to vector<16xf32>
    %scan3A = arith.constant 0 : i32
    %scan3A_3 = arith.constant 0 : i32
    %scan3A_4 = arith.constant 128 : i32
    %scan3A_5 = arith.addi %scan3A_3, %scan3A_4 : i32
    %scan3A_6 = arith.constant 1 : i32
    %scan3A_7 = scf.for %scan3A_32 = %scan3A_3 to %scan3A_5 step %scan3A_6 iter_args(%scan3A_33 = %scan3A) -> (i32)  : i32 {
      %swap3A = arith.index_cast %scan3A_32 : i32 to index
      %swap3A_34 = arith.constant 0 : index
      %swap3A_35 = tpu.vector_load %arg5[%swap3A, %swap3A_34] {strides = array<i32>} : memref<128x16xf32, #tpu.memory_space<vmem>>, vector<1x16xf32>,
      %swap3A_36 = vector.shape_cast %swap3A_35 : vector<1x16xf32> to vector<16xf32>
      %swap3A_37 = vector.shape_cast %broadcast_in_dim3A_0 : vector<16xf32> to vector<1x16xf32>
      tpu.vector_store %arg5[%swap3A, %swap3A_34], %swap3A_37 {strides = array<i32>} : memref<128x16xf32, #tpu.memory_space<vmem>>, vector<1x16xf32>,
      %swap3A_38 = arith.index_cast %scan3A_32 : i32 to index
      %swap3A_39 = arith.constant 0 : index
      %swap3A_40 = tpu.vector_load %arg6[%swap3A_38, %swap3A_39] {strides = array<i32>} : memref<128x16xf32, #tpu.memory_space<vmem>>, vector<1x16xf32>,
      %swap3A_41 = vector.shape_cast %swap3A_40 : vector<1x16xf32> to vector<16xf32>
      %swap3A_42 = vector.shape_cast %broadcast_in_dim3A_2 : vector<16xf32> to vector<1x16xf32>
      tpu.vector_store %arg6[%swap3A_38, %swap3A_39], %swap3A_42 {strides = array<i32>} : memref<128x16xf32, #tpu.memory_space<vmem>>, vector<1x16xf32>,
      %scan3A_43 = arith.constant 0 : i32
      scf.yield %scan3A_43 : i32
    }
    %scan3A_8 = arith.constant 128 : i32
    %mul3A = arith.constant 632 : i32
    %mul3A_9 = arith.muli %arg1, %mul3A : i32
    %add3A = arith.constant 0 : i32
    %add3A_10 = arith.addi %mul3A_9, %add3A : i32
    "tpu.region"() ({
      %run_scoped3A = tpu.sem_alloc : memref<!tpu.dma_semaphore, #tpu.memory_space<semaphore_mem>>
      %dma_start3A = arith.constant 0 : i32
      %dma_start3A_32 = tpu.memref_slice %arg7[%add3A_10, %dma_start3A] : memref<10112x16xf32, #tpu.memory_space<vmem_shared>> -> memref<128x16xf32, #tpu.memory_space<vmem_shared>>
      %dma_start3A_33 = arith.constant 0 : i32
      %dma_start3A_34 = tpu.memref_slice %arg7[%add3A_10, %dma_start3A_33] : memref<10112x16xf32, #tpu.memory_space<vmem_shared>> -> memref<128x16xf32, #tpu.memory_space<vmem_shared>>
      tpu.enqueue_dma source(%arg6 : memref<128x16xf32, #tpu.memory_space<vmem>>) target(%dma_start3A_34 : memref<128x16xf32, #tpu.memory_space<vmem_shared>>) target_semaphore(%run_scoped3A : memref<!tpu.dma_semaphore, #tpu.memory_space<semaphore_mem>>)
      %dma_wait3A = arith.constant 0 : i32
      %dma_wait3A_35 = tpu.memref_slice %arg7[%add3A_10, %dma_wait3A] : memref<10112x16xf32, #tpu.memory_space<vmem_shared>> -> memref<128x16xf32, #tpu.memory_space<vmem_shared>>
      %dma_wait3A_36 = arith.constant 0 : i32
      %dma_wait3A_37 = tpu.memref_slice %arg7[%add3A_10, %dma_wait3A_36] : memref<10112x16xf32, #tpu.memory_space<vmem_shared>> -> memref<128x16xf32, #tpu.memory_space<vmem_shared>>
      tpu.wait_dma2 semaphore(%run_scoped3A : memref<!tpu.dma_semaphore, #tpu.memory_space<semaphore_mem>>) src(%arg6 : memref<128x16xf32, #tpu.memory_space<vmem>>) dst(%dma_wait3A_37 : memref<128x16xf32, #tpu.memory_space<vmem_shared>>)
      tpu.yield
    }) : () -> ()
    %add3A_11 = arith.constant 128 : i32
    %add3A_12 = arith.addi %mul3A_9, %add3A_11 : i32
    "tpu.region"() ({
      %run_scoped3A = tpu.sem_alloc : memref<!tpu.dma_semaphore, #tpu.memory_space<semaphore_mem>>
      %dma_start3A = arith.constant 0 : i32
      %dma_start3A_32 = tpu.memref_slice %arg7[%add3A_12, %dma_start3A] : memref<10112x16xf32, #tpu.memory_space<vmem_shared>> -> memref<128x16xf32, #tpu.memory_space<vmem_shared>>
      %dma_start3A_33 = arith.constant 0 : i32
      %dma_start3A_34 = tpu.memref_slice %arg7[%add3A_12, %dma_start3A_33] : memref<10112x16xf32, #tpu.memory_space<vmem_shared>> -> memref<128x16xf32, #tpu.memory_space<vmem_shared>>
      tpu.enqueue_dma source(%arg6 : memref<128x16xf32, #tpu.memory_space<vmem>>) target(%dma_start3A_34 : memref<128x16xf32, #tpu.memory_space<vmem_shared>>) target_semaphore(%run_scoped3A : memref<!tpu.dma_semaphore, #tpu.memory_space<semaphore_mem>>)
      %dma_wait3A = arith.constant 0 : i32
      %dma_wait3A_35 = tpu.memref_slice %arg7[%add3A_12, %dma_wait3A] : memref<10112x16xf32, #tpu.memory_space<vmem_shared>> -> memref<128x16xf32, #tpu.memory_space<vmem_shared>>
      %dma_wait3A_36 = arith.constant 0 : i32
      %dma_wait3A_37 = tpu.memref_slice %arg7[%add3A_12, %dma_wait3A_36] : memref<10112x16xf32, #tpu.memory_space<vmem_shared>> -> memref<128x16xf32, #tpu.memory_space<vmem_shared>>
      tpu.wait_dma2 semaphore(%run_scoped3A : memref<!tpu.dma_semaphore, #tpu.memory_space<semaphore_mem>>) src(%arg6 : memref<128x16xf32, #tpu.memory_space<vmem>>) dst(%dma_wait3A_37 : memref<128x16xf32, #tpu.memory_space<vmem_shared>>)
      tpu.yield
    }) : () -> ()
    %add3A_13 = arith.constant 256 : i32
    %add3A_14 = arith.addi %mul3A_9, %add3A_13 : i32
    "tpu.region"() ({
      %run_scoped3A = tpu.sem_alloc : memref<!tpu.dma_semaphore, #tpu.memory_space<semaphore_mem>>
      %dma_start3A = arith.constant 0 : i32
      %dma_start3A_32 = tpu.memref_slice %arg7[%add3A_14, %dma_start3A] : memref<10112x16xf32, #tpu.memory_space<vmem_shared>> -> memref<128x16xf32, #tpu.memory_space<vmem_shared>>
      %dma_start3A_33 = arith.constant 0 : i32
      %dma_start3A_34 = tpu.memref_slice %arg7[%add3A_14, %dma_start3A_33] : memref<10112x16xf32, #tpu.memory_space<vmem_shared>> -> memref<128x16xf32, #tpu.memory_space<vmem_shared>>
      tpu.enqueue_dma source(%arg6 : memref<128x16xf32, #tpu.memory_space<vmem>>) target(%dma_start3A_34 : memref<128x16xf32, #tpu.memory_space<vmem_shared>>) target_semaphore(%run_scoped3A : memref<!tpu.dma_semaphore, #tpu.memory_space<semaphore_mem>>)
      %dma_wait3A = arith.constant 0 : i32
      %dma_wait3A_35 = tpu.memref_slice %arg7[%add3A_14, %dma_wait3A] : memref<10112x16xf32, #tpu.memory_space<vmem_shared>> -> memref<128x16xf32, #tpu.memory_space<vmem_shared>>
      %dma_wait3A_36 = arith.constant 0 : i32
      %dma_wait3A_37 = tpu.memref_slice %arg7[%add3A_14, %dma_wait3A_36] : memref<10112x16xf32, #tpu.memory_space<vmem_shared>> -> memref<128x16xf32, #tpu.memory_space<vmem_shared>>
      tpu.wait_dma2 semaphore(%run_scoped3A : memref<!tpu.dma_semaphore, #tpu.memory_space<semaphore_mem>>) src(%arg6 : memref<128x16xf32, #tpu.memory_space<vmem>>) dst(%dma_wait3A_37 : memref<128x16xf32, #tpu.memory_space<vmem_shared>>)
      tpu.yield
    }) : () -> ()
    %add3A_15 = arith.constant 384 : i32
    %add3A_16 = arith.addi %mul3A_9, %add3A_15 : i32
    "tpu.region"() ({
      %run_scoped3A = tpu.sem_alloc : memref<!tpu.dma_semaphore, #tpu.memory_space<semaphore_mem>>
      %dma_start3A = arith.constant 0 : i32
      %dma_start3A_32 = tpu.memref_slice %arg7[%add3A_16, %dma_start3A] : memref<10112x16xf32, #tpu.memory_space<vmem_shared>> -> memref<128x16xf32, #tpu.memory_space<vmem_shared>>
      %dma_start3A_33 = arith.constant 0 : i32
      %dma_start3A_34 = tpu.memref_slice %arg7[%add3A_16, %dma_start3A_33] : memref<10112x16xf32, #tpu.memory_space<vmem_shared>> -> memref<128x16xf32, #tpu.memory_space<vmem_shared>>
      tpu.enqueue_dma source(%arg6 : memref<128x16xf32, #tpu.memory_space<vmem>>) target(%dma_start3A_34 : memref<128x16xf32, #tpu.memory_space<vmem_shared>>) target_semaphore(%run_scoped3A : memref<!tpu.dma_semaphore, #tpu.memory_space<semaphore_mem>>)
      %dma_wait3A = arith.constant 0 : i32
      %dma_wait3A_35 = tpu.memref_slice %arg7[%add3A_16, %dma_wait3A] : memref<10112x16xf32, #tpu.memory_space<vmem_shared>> -> memref<128x16xf32, #tpu.memory_space<vmem_shared>>
      %dma_wait3A_36 = arith.constant 0 : i32
      %dma_wait3A_37 = tpu.memref_slice %arg7[%add3A_16, %dma_wait3A_36] : memref<10112x16xf32, #tpu.memory_space<vmem_shared>> -> memref<128x16xf32, #tpu.memory_space<vmem_shared>>
      tpu.wait_dma2 semaphore(%run_scoped3A : memref<!tpu.dma_semaphore, #tpu.memory_space<semaphore_mem>>) src(%arg6 : memref<128x16xf32, #tpu.memory_space<vmem>>) dst(%dma_wait3A_37 : memref<128x16xf32, #tpu.memory_space<vmem_shared>>)
      tpu.yield
    }) : () -> ()
    %add3A_17 = arith.constant 512 : i32
    %add3A_18 = arith.addi %mul3A_9, %add3A_17 : i32
    "tpu.region"() ({
      %run_scoped3A = tpu.sem_alloc : memref<!tpu.dma_semaphore, #tpu.memory_space<semaphore_mem>>
      %dma_start3A = arith.constant 0 : i32
      %dma_start3A_32 = arith.constant 0 : i32
      %dma_start3A_33 = tpu.memref_slice %arg6[%dma_start3A, %dma_start3A_32] : memref<128x16xf32, #tpu.memory_space<vmem>> -> memref<120x16xf32, #tpu.memory_space<vmem>>
      %dma_start3A_34 = arith.constant 0 : i32
      %dma_start3A_35 = tpu.memref_slice %arg7[%add3A_18, %dma_start3A_34] : memref<10112x16xf32, #tpu.memory_space<vmem_shared>> -> memref<120x16xf32, #tpu.memory_space<vmem_shared>>
      %dma_start3A_36 = arith.constant 0 : i32
      %dma_start3A_37 = tpu.memref_slice %arg7[%add3A_18, %dma_start3A_36] : memref<10112x16xf32, #tpu.memory_space<vmem_shared>> -> memref<120x16xf32, #tpu.memory_space<vmem_shared>>
      %dma_start3A_38 = arith.constant 0 : i32
      %dma_start3A_39 = arith.constant 0 : i32
      %dma_start3A_40 = tpu.memref_slice %arg6[%dma_start3A_38, %dma_start3A_39] : memref<128x16xf32, #tpu.memory_space<vmem>> -> memref<120x16xf32, #tpu.memory_space<vmem>>
      tpu.enqueue_dma source(%dma_start3A_40 : memref<120x16xf32, #tpu.memory_space<vmem>>) target(%dma_start3A_37 : memref<120x16xf32, #tpu.memory_space<vmem_shared>>) target_semaphore(%run_scoped3A : memref<!tpu.dma_semaphore, #tpu.memory_space<semaphore_mem>>)
      %dma_wait3A = arith.constant 0 : i32
      %dma_wait3A_41 = arith.constant 0 : i32
      %dma_wait3A_42 = tpu.memref_slice %arg6[%dma_wait3A, %dma_wait3A_41] : memref<128x16xf32, #tpu.memory_space<vmem>> -> memref<120x16xf32, #tpu.memory_space<vmem>>
      %dma_wait3A_43 = arith.constant 0 : i32
      %dma_wait3A_44 = tpu.memref_slice %arg7[%add3A_18, %dma_wait3A_43] : memref<10112x16xf32, #tpu.memory_space<vmem_shared>> -> memref<120x16xf32, #tpu.memory_space<vmem_shared>>
      %dma_wait3A_45 = arith.constant 0 : i32
      %dma_wait3A_46 = tpu.memref_slice %arg7[%add3A_18, %dma_wait3A_45] : memref<10112x16xf32, #tpu.memory_space<vmem_shared>> -> memref<120x16xf32, #tpu.memory_space<vmem_shared>>
      %dma_wait3A_47 = arith.constant 0 : i32
      %dma_wait3A_48 = arith.constant 0 : i32
      %dma_wait3A_49 = tpu.memref_slice %arg6[%dma_wait3A_47, %dma_wait3A_48] : memref<128x16xf32, #tpu.memory_space<vmem>> -> memref<120x16xf32, #tpu.memory_space<vmem>>
      tpu.wait_dma2 semaphore(%run_scoped3A : memref<!tpu.dma_semaphore, #tpu.memory_space<semaphore_mem>>) src(%dma_wait3A_49 : memref<120x16xf32, #tpu.memory_space<vmem>>) dst(%dma_wait3A_46 : memref<120x16xf32, #tpu.memory_space<vmem_shared>>)
      tpu.yield
    }) : () -> ()
    "tpu.region"() ({
      %run_scoped3A = tpu.sem_alloc : memref<!tpu.dma_semaphore, #tpu.memory_space<semaphore_mem>>
      %dma_start3A = arith.constant 0 : i32
      %dma_start3A_32 = arith.constant 0 : i32
      %dma_start3A_33 = tpu.memref_slice %arg2[%arg1, %dma_start3A, %dma_start3A_32] : memref<16x158x128xi32, #tpu.memory_space<hbm>> -> memref<1x158x128xi32, #tpu.memory_space<hbm>>
      %dma_start3A_34 = tpu.memref_squeeze %dma_start3A_33 : memref<1x158x128xi32, #tpu.memory_space<hbm>> -> memref<158x128xi32, #tpu.memory_space<hbm>>
      %dma_start3A_35 = arith.constant 0 : i32
      %dma_start3A_36 = arith.constant 0 : i32
      %dma_start3A_37 = tpu.memref_slice %arg2[%arg1, %dma_start3A_35, %dma_start3A_36] : memref<16x158x128xi32, #tpu.memory_space<hbm>> -> memref<1x158x128xi32, #tpu.memory_space<hbm>>
      %dma_start3A_38 = tpu.memref_squeeze %dma_start3A_37 : memref<1x158x128xi32, #tpu.memory_space<hbm>> -> memref<158x128xi32, #tpu.memory_space<hbm>>
      tpu.enqueue_dma source(%dma_start3A_38 : memref<158x128xi32, #tpu.memory_space<hbm>>) target(%arg4 : memref<158x128xi32, #tpu.memory_space<vmem>>) target_semaphore(%run_scoped3A : memref<!tpu.dma_semaphore, #tpu.memory_space<semaphore_mem>>)
      %dma_wait3A = arith.constant 0 : i32
      %dma_wait3A_39 = arith.constant 0 : i32
      %dma_wait3A_40 = tpu.memref_slice %arg2[%arg1, %dma_wait3A, %dma_wait3A_39] : memref<16x158x128xi32, #tpu.memory_space<hbm>> -> memref<1x158x128xi32, #tpu.memory_space<hbm>>
      %dma_wait3A_41 = tpu.memref_squeeze %dma_wait3A_40 : memref<1x158x128xi32, #tpu.memory_space<hbm>> -> memref<158x128xi32, #tpu.memory_space<hbm>>
      %dma_wait3A_42 = arith.constant 0 : i32
      %dma_wait3A_43 = arith.constant 0 : i32
      %dma_wait3A_44 = tpu.memref_slice %arg2[%arg1, %dma_wait3A_42, %dma_wait3A_43] : memref<16x158x128xi32, #tpu.memory_space<hbm>> -> memref<1x158x128xi32, #tpu.memory_space<hbm>>
      %dma_wait3A_45 = tpu.memref_squeeze %dma_wait3A_44 : memref<1x158x128xi32, #tpu.memory_space<hbm>> -> memref<158x128xi32, #tpu.memory_space<hbm>>
      tpu.wait_dma2 semaphore(%run_scoped3A : memref<!tpu.dma_semaphore, #tpu.memory_space<semaphore_mem>>) src(%dma_wait3A_45 : memref<158x128xi32, #tpu.memory_space<hbm>>) dst(%arg4 : memref<158x128xi32, #tpu.memory_space<vmem>>)
      tpu.yield
    }) : () -> ()
    %barrier3A = arith.constant 0 : index
    tpu.barrier barrier_id(%barrier3A)
    %mul3A_19 = arith.constant 79 : i32
    %mul3A_20 = arith.muli %arg0, %mul3A_19 : i32
    %scan3A_21 = arith.constant 0 : i32
    %scan3A_22 = arith.constant 0 : i32
    %scan3A_23 = arith.constant 79 : i32
    %scan3A_24 = arith.addi %scan3A_22, %scan3A_23 : i32
    %scan3A_25 = arith.constant 1 : i32
    %scan3A_26 = scf.for %scan3A_32 = %scan3A_22 to %scan3A_24 step %scan3A_25 iter_args(%scan3A_33 = %scan3A_21) -> (i32)  : i32 {
      %add3A_34 = arith.addi %mul3A_20, %scan3A_32 : i32
      "tpu.region"() ({
        %run_scoped3A = tpu.sem_alloc : memref<!tpu.dma_semaphore, #tpu.memory_space<semaphore_mem>>
        %dma_start3A = arith.constant 0 : i32
        %dma_start3A_36 = tpu.memref_slice %arg4[%add3A_34, %dma_start3A] : memref<158x128xi32, #tpu.memory_space<vmem>> -> memref<1x128xi32, #tpu.memory_space<vmem>>
        %dma_start3A_37 = tpu.memref_squeeze %dma_start3A_36 : memref<1x128xi32, #tpu.memory_space<vmem>> -> memref<128xi32, #tpu.memory_space<vmem>>
        %dma_start3A_38 = arith.constant 0 : i32
        %dma_start3A_39 = arith.constant 0 : i32
        %dma_start3A_40 = tpu.memref_slice %arg7[%dma_start3A_38, %dma_start3A_39] : memref<10112x16xf32, #tpu.memory_space<vmem_shared>> -> memref<10112x16xf32, #tpu.memory_space<vmem_shared>>
        tpu.enqueue_indirect_dma source(%arg5 : memref<128x16xf32, #tpu.memory_space<vmem>>) target(%dma_start3A_40 : memref<10112x16xf32, #tpu.memory_space<vmem_shared>>) offsets(%dma_start3A_37 : memref<128xi32, #tpu.memory_space<vmem>>) semaphore(%run_scoped3A : memref<!tpu.dma_semaphore, #tpu.memory_space<semaphore_mem>>) {add = true}
        %dma_wait3A = arith.constant 0 : i32
        %dma_wait3A_41 = tpu.memref_slice %arg4[%add3A_34, %dma_wait3A] : memref<158x128xi32, #tpu.memory_space<vmem>> -> memref<1x128xi32, #tpu.memory_space<vmem>>
        %dma_wait3A_42 = tpu.memref_squeeze %dma_wait3A_41 : memref<1x128xi32, #tpu.memory_space<vmem>> -> memref<128xi32, #tpu.memory_space<vmem>>
        %dma_wait3A_43 = arith.constant 0 : i32
        %dma_wait3A_44 = arith.constant 0 : i32
        %dma_wait3A_45 = tpu.memref_slice %arg7[%dma_wait3A_43, %dma_wait3A_44] : memref<10112x16xf32, #tpu.memory_space<vmem_shared>> -> memref<10112x16xf32, #tpu.memory_space<vmem_shared>>
        tpu.wait_indirect_dma semaphore(%run_scoped3A : memref<!tpu.dma_semaphore, #tpu.memory_space<semaphore_mem>>) src(%arg5 : memref<128x16xf32, #tpu.memory_space<vmem>>) dst(%dma_wait3A_45 : memref<10112x16xf32, #tpu.memory_space<vmem_shared>>)
        tpu.yield
      }) : () -> ()
      %scan3A_35 = arith.constant 0 : i32
      scf.yield %scan3A_35 : i32
    }
    %scan3A_27 = arith.constant 79 : i32
    %barrier3A_28 = arith.constant 0 : index
    tpu.barrier barrier_id(%barrier3A_28)
    %mul3A_29 = arith.constant 10112 : i32
    %mul3A_30 = arith.muli %arg0, %mul3A_29 : i32
    %add3A_31 = arith.addi %mul3A_30, %mul3A_9 : i32
    "tpu.region"() ({
      %run_scoped3A = tpu.sem_alloc : memref<!tpu.dma_semaphore, #tpu.memory_space<semaphore_mem>>
      %dma_start3A = arith.constant 0 : i32
      %dma_start3A_32 = tpu.memref_slice %arg3[%add3A_31, %dma_start3A] : memref<20224x16xf32, #tpu.memory_space<hbm>> -> memref<632x16xf32, #tpu.memory_space<hbm>>
      %dma_start3A_33 = arith.constant 0 : i32
      %dma_start3A_34 = tpu.memref_slice %arg7[%mul3A_9, %dma_start3A_33] : memref<10112x16xf32, #tpu.memory_space<vmem_shared>> -> memref<632x16xf32, #tpu.memory_space<vmem_shared>>
      tpu.enqueue_dma source(%dma_start3A_34 : memref<632x16xf32, #tpu.memory_space<vmem_shared>>) target(%dma_start3A_32 : memref<632x16xf32, #tpu.memory_space<hbm>>) target_semaphore(%run_scoped3A : memref<!tpu.dma_semaphore, #tpu.memory_space<semaphore_mem>>)
      %dma_wait3A = arith.constant 0 : i32
      %dma_wait3A_35 = tpu.memref_slice %arg3[%add3A_31, %dma_wait3A] : memref<20224x16xf32, #tpu.memory_space<hbm>> -> memref<632x16xf32, #tpu.memory_space<hbm>>
      %dma_wait3A_36 = arith.constant 0 : i32
      %dma_wait3A_37 = tpu.memref_slice %arg7[%mul3A_9, %dma_wait3A_36] : memref<10112x16xf32, #tpu.memory_space<vmem_shared>> -> memref<632x16xf32, #tpu.memory_space<vmem_shared>>
      tpu.wait_dma2 semaphore(%run_scoped3A : memref<!tpu.dma_semaphore, #tpu.memory_space<semaphore_mem>>) src(%dma_wait3A_37 : memref<632x16xf32, #tpu.memory_space<vmem_shared>>) dst(%dma_wait3A_35 : memref<632x16xf32, #tpu.memory_space<hbm>>)
      tpu.yield
    }) : () -> ()
    return
  }
}

#map = affine_map<(d0, d1) -> (0, 0)>
#map1 = affine_map<(d0, d1) -> (0, 0, 0)>
module attributes {stable_mosaic.version = 14 : i64} {
  func.func @_sc_scatter(%arg0: i32, %arg1: i32, %arg2: memref<20224x64xf32, #tpu.memory_space<hbm>>, %arg3: memref<16x20224xi32, #tpu.memory_space<hbm>>, %arg4: memref<16x158x128xi32, #tpu.memory_space<hbm>>, %arg5: memref<20224x64xf32, #tpu.memory_space<hbm>>, %arg6: memref<20224xi32, #tpu.memory_space<vmem>>, %arg7: memref<158x128xi32, #tpu.memory_space<vmem>>, %arg8: memref<128x64xf32, #tpu.memory_space<vmem>>, %arg9: memref<128x64xf32, #tpu.memory_space<vmem>>, %arg10: memref<10112x64xf32, #tpu.memory_space<vmem_shared>>, %arg11: memref<!tpu.dma_semaphore, #tpu.memory_space<semaphore_mem>>) attributes {dimension_semantics = [#tpu.dimension_semantics<core_parallel>, #tpu.dimension_semantics<subcore_parallel>], iteration_bounds = array<i64: 2, 16>, scalar_prefetch = 0 : i64, scratch_operands = 6 : i64, tpu.core_type = #tpu.core_type<sc_vector_subcore>, window_params = [{transform_indices = #map}, {transform_indices = #map}, {transform_indices = #map1}, {transform_indices = #map}]} {
    %broadcast_in_dim3A = arith.constant 0.000000e+00 : f32
    %broadcast_in_dim3A_0 = vector.broadcast %broadcast_in_dim3A : f32 to vector<16xf32>
    %scan3A = arith.constant 0 : i32
    %scan3A_1 = arith.constant 0 : i32
    %scan3A_2 = arith.constant 128 : i32
    %scan3A_3 = arith.addi %scan3A_1, %scan3A_2 : i32
    %scan3A_4 = arith.constant 1 : i32
    %scan3A_5 = scf.for %scan3A_37 = %scan3A_1 to %scan3A_3 step %scan3A_4 iter_args(%scan3A_38 = %scan3A) -> (i32)  : i32 {
      %swap3A = arith.index_cast %scan3A_37 : i32 to index
      %swap3A_39 = arith.constant 0 : index
      %swap3A_40 = tpu.vector_load %arg9[%swap3A, %swap3A_39] {strides = array<i32>} : memref<128x64xf32, #tpu.memory_space<vmem>>, vector<1x16xf32>,
      %swap3A_41 = vector.shape_cast %swap3A_40 : vector<1x16xf32> to vector<16xf32>
      %swap3A_42 = vector.shape_cast %broadcast_in_dim3A_0 : vector<16xf32> to vector<1x16xf32>
      tpu.vector_store %arg9[%swap3A, %swap3A_39], %swap3A_42 {strides = array<i32>} : memref<128x64xf32, #tpu.memory_space<vmem>>, vector<1x16xf32>,
      %swap3A_43 = arith.index_cast %scan3A_37 : i32 to index
      %swap3A_44 = arith.constant 16 : index
      %swap3A_45 = tpu.vector_load %arg9[%swap3A_43, %swap3A_44] {strides = array<i32>} : memref<128x64xf32, #tpu.memory_space<vmem>>, vector<1x16xf32>,
      %swap3A_46 = vector.shape_cast %swap3A_45 : vector<1x16xf32> to vector<16xf32>
      %swap3A_47 = vector.shape_cast %broadcast_in_dim3A_0 : vector<16xf32> to vector<1x16xf32>
      tpu.vector_store %arg9[%swap3A_43, %swap3A_44], %swap3A_47 {strides = array<i32>} : memref<128x64xf32, #tpu.memory_space<vmem>>, vector<1x16xf32>,
      %swap3A_48 = arith.index_cast %scan3A_37 : i32 to index
      %swap3A_49 = arith.constant 32 : index
      %swap3A_50 = tpu.vector_load %arg9[%swap3A_48, %swap3A_49] {strides = array<i32>} : memref<128x64xf32, #tpu.memory_space<vmem>>, vector<1x16xf32>,
      %swap3A_51 = vector.shape_cast %swap3A_50 : vector<1x16xf32> to vector<16xf32>
      %swap3A_52 = vector.shape_cast %broadcast_in_dim3A_0 : vector<16xf32> to vector<1x16xf32>
      tpu.vector_store %arg9[%swap3A_48, %swap3A_49], %swap3A_52 {strides = array<i32>} : memref<128x64xf32, #tpu.memory_space<vmem>>, vector<1x16xf32>,
      %swap3A_53 = arith.index_cast %scan3A_37 : i32 to index
      %swap3A_54 = arith.constant 48 : index
      %swap3A_55 = tpu.vector_load %arg9[%swap3A_53, %swap3A_54] {strides = array<i32>} : memref<128x64xf32, #tpu.memory_space<vmem>>, vector<1x16xf32>,
      %swap3A_56 = vector.shape_cast %swap3A_55 : vector<1x16xf32> to vector<16xf32>
      %swap3A_57 = vector.shape_cast %broadcast_in_dim3A_0 : vector<16xf32> to vector<1x16xf32>
      tpu.vector_store %arg9[%swap3A_53, %swap3A_54], %swap3A_57 {strides = array<i32>} : memref<128x64xf32, #tpu.memory_space<vmem>>, vector<1x16xf32>,
      %scan3A_58 = arith.constant 0 : i32
      scf.yield %scan3A_58 : i32
    }
    %scan3A_6 = arith.constant 128 : i32
    %mul3A = arith.constant 632 : i32
    %mul3A_7 = arith.muli %arg1, %mul3A : i32
    %add3A = arith.constant 0 : i32
    %add3A_8 = arith.addi %mul3A_7, %add3A : i32
    "tpu.region"() ({
      %run_scoped3A = tpu.sem_alloc : memref<!tpu.dma_semaphore, #tpu.memory_space<semaphore_mem>>
      %dma_start3A = arith.constant 0 : i32
      %dma_start3A_37 = tpu.memref_slice %arg10[%add3A_8, %dma_start3A] : memref<10112x64xf32, #tpu.memory_space<vmem_shared>> -> memref<128x64xf32, #tpu.memory_space<vmem_shared>>
      %dma_start3A_38 = arith.constant 0 : i32
      %dma_start3A_39 = tpu.memref_slice %arg10[%add3A_8, %dma_start3A_38] : memref<10112x64xf32, #tpu.memory_space<vmem_shared>> -> memref<128x64xf32, #tpu.memory_space<vmem_shared>>
      tpu.enqueue_dma source(%arg9 : memref<128x64xf32, #tpu.memory_space<vmem>>) target(%dma_start3A_39 : memref<128x64xf32, #tpu.memory_space<vmem_shared>>) target_semaphore(%run_scoped3A : memref<!tpu.dma_semaphore, #tpu.memory_space<semaphore_mem>>)
      %dma_wait3A = arith.constant 0 : i32
      %dma_wait3A_40 = tpu.memref_slice %arg10[%add3A_8, %dma_wait3A] : memref<10112x64xf32, #tpu.memory_space<vmem_shared>> -> memref<128x64xf32, #tpu.memory_space<vmem_shared>>
      %dma_wait3A_41 = arith.constant 0 : i32
      %dma_wait3A_42 = tpu.memref_slice %arg10[%add3A_8, %dma_wait3A_41] : memref<10112x64xf32, #tpu.memory_space<vmem_shared>> -> memref<128x64xf32, #tpu.memory_space<vmem_shared>>
      tpu.wait_dma2 semaphore(%run_scoped3A : memref<!tpu.dma_semaphore, #tpu.memory_space<semaphore_mem>>) src(%arg9 : memref<128x64xf32, #tpu.memory_space<vmem>>) dst(%dma_wait3A_42 : memref<128x64xf32, #tpu.memory_space<vmem_shared>>)
      tpu.yield
    }) : () -> ()
    %add3A_9 = arith.constant 128 : i32
    %add3A_10 = arith.addi %mul3A_7, %add3A_9 : i32
    "tpu.region"() ({
      %run_scoped3A = tpu.sem_alloc : memref<!tpu.dma_semaphore, #tpu.memory_space<semaphore_mem>>
      %dma_start3A = arith.constant 0 : i32
      %dma_start3A_37 = tpu.memref_slice %arg10[%add3A_10, %dma_start3A] : memref<10112x64xf32, #tpu.memory_space<vmem_shared>> -> memref<128x64xf32, #tpu.memory_space<vmem_shared>>
      %dma_start3A_38 = arith.constant 0 : i32
      %dma_start3A_39 = tpu.memref_slice %arg10[%add3A_10, %dma_start3A_38] : memref<10112x64xf32, #tpu.memory_space<vmem_shared>> -> memref<128x64xf32, #tpu.memory_space<vmem_shared>>
      tpu.enqueue_dma source(%arg9 : memref<128x64xf32, #tpu.memory_space<vmem>>) target(%dma_start3A_39 : memref<128x64xf32, #tpu.memory_space<vmem_shared>>) target_semaphore(%run_scoped3A : memref<!tpu.dma_semaphore, #tpu.memory_space<semaphore_mem>>)
      %dma_wait3A = arith.constant 0 : i32
      %dma_wait3A_40 = tpu.memref_slice %arg10[%add3A_10, %dma_wait3A] : memref<10112x64xf32, #tpu.memory_space<vmem_shared>> -> memref<128x64xf32, #tpu.memory_space<vmem_shared>>
      %dma_wait3A_41 = arith.constant 0 : i32
      %dma_wait3A_42 = tpu.memref_slice %arg10[%add3A_10, %dma_wait3A_41] : memref<10112x64xf32, #tpu.memory_space<vmem_shared>> -> memref<128x64xf32, #tpu.memory_space<vmem_shared>>
      tpu.wait_dma2 semaphore(%run_scoped3A : memref<!tpu.dma_semaphore, #tpu.memory_space<semaphore_mem>>) src(%arg9 : memref<128x64xf32, #tpu.memory_space<vmem>>) dst(%dma_wait3A_42 : memref<128x64xf32, #tpu.memory_space<vmem_shared>>)
      tpu.yield
    }) : () -> ()
    %add3A_11 = arith.constant 256 : i32
    %add3A_12 = arith.addi %mul3A_7, %add3A_11 : i32
    "tpu.region"() ({
      %run_scoped3A = tpu.sem_alloc : memref<!tpu.dma_semaphore, #tpu.memory_space<semaphore_mem>>
      %dma_start3A = arith.constant 0 : i32
      %dma_start3A_37 = tpu.memref_slice %arg10[%add3A_12, %dma_start3A] : memref<10112x64xf32, #tpu.memory_space<vmem_shared>> -> memref<128x64xf32, #tpu.memory_space<vmem_shared>>
      %dma_start3A_38 = arith.constant 0 : i32
      %dma_start3A_39 = tpu.memref_slice %arg10[%add3A_12, %dma_start3A_38] : memref<10112x64xf32, #tpu.memory_space<vmem_shared>> -> memref<128x64xf32, #tpu.memory_space<vmem_shared>>
      tpu.enqueue_dma source(%arg9 : memref<128x64xf32, #tpu.memory_space<vmem>>) target(%dma_start3A_39 : memref<128x64xf32, #tpu.memory_space<vmem_shared>>) target_semaphore(%run_scoped3A : memref<!tpu.dma_semaphore, #tpu.memory_space<semaphore_mem>>)
      %dma_wait3A = arith.constant 0 : i32
      %dma_wait3A_40 = tpu.memref_slice %arg10[%add3A_12, %dma_wait3A] : memref<10112x64xf32, #tpu.memory_space<vmem_shared>> -> memref<128x64xf32, #tpu.memory_space<vmem_shared>>
      %dma_wait3A_41 = arith.constant 0 : i32
      %dma_wait3A_42 = tpu.memref_slice %arg10[%add3A_12, %dma_wait3A_41] : memref<10112x64xf32, #tpu.memory_space<vmem_shared>> -> memref<128x64xf32, #tpu.memory_space<vmem_shared>>
      tpu.wait_dma2 semaphore(%run_scoped3A : memref<!tpu.dma_semaphore, #tpu.memory_space<semaphore_mem>>) src(%arg9 : memref<128x64xf32, #tpu.memory_space<vmem>>) dst(%dma_wait3A_42 : memref<128x64xf32, #tpu.memory_space<vmem_shared>>)
      tpu.yield
    }) : () -> ()
    %add3A_13 = arith.constant 384 : i32
    %add3A_14 = arith.addi %mul3A_7, %add3A_13 : i32
    "tpu.region"() ({
      %run_scoped3A = tpu.sem_alloc : memref<!tpu.dma_semaphore, #tpu.memory_space<semaphore_mem>>
      %dma_start3A = arith.constant 0 : i32
      %dma_start3A_37 = tpu.memref_slice %arg10[%add3A_14, %dma_start3A] : memref<10112x64xf32, #tpu.memory_space<vmem_shared>> -> memref<128x64xf32, #tpu.memory_space<vmem_shared>>
      %dma_start3A_38 = arith.constant 0 : i32
      %dma_start3A_39 = tpu.memref_slice %arg10[%add3A_14, %dma_start3A_38] : memref<10112x64xf32, #tpu.memory_space<vmem_shared>> -> memref<128x64xf32, #tpu.memory_space<vmem_shared>>
      tpu.enqueue_dma source(%arg9 : memref<128x64xf32, #tpu.memory_space<vmem>>) target(%dma_start3A_39 : memref<128x64xf32, #tpu.memory_space<vmem_shared>>) target_semaphore(%run_scoped3A : memref<!tpu.dma_semaphore, #tpu.memory_space<semaphore_mem>>)
      %dma_wait3A = arith.constant 0 : i32
      %dma_wait3A_40 = tpu.memref_slice %arg10[%add3A_14, %dma_wait3A] : memref<10112x64xf32, #tpu.memory_space<vmem_shared>> -> memref<128x64xf32, #tpu.memory_space<vmem_shared>>
      %dma_wait3A_41 = arith.constant 0 : i32
      %dma_wait3A_42 = tpu.memref_slice %arg10[%add3A_14, %dma_wait3A_41] : memref<10112x64xf32, #tpu.memory_space<vmem_shared>> -> memref<128x64xf32, #tpu.memory_space<vmem_shared>>
      tpu.wait_dma2 semaphore(%run_scoped3A : memref<!tpu.dma_semaphore, #tpu.memory_space<semaphore_mem>>) src(%arg9 : memref<128x64xf32, #tpu.memory_space<vmem>>) dst(%dma_wait3A_42 : memref<128x64xf32, #tpu.memory_space<vmem_shared>>)
      tpu.yield
    }) : () -> ()
    %add3A_15 = arith.constant 512 : i32
    %add3A_16 = arith.addi %mul3A_7, %add3A_15 : i32
    "tpu.region"() ({
      %run_scoped3A = tpu.sem_alloc : memref<!tpu.dma_semaphore, #tpu.memory_space<semaphore_mem>>
      %dma_start3A = arith.constant 0 : i32
      %dma_start3A_37 = arith.constant 0 : i32
      %dma_start3A_38 = tpu.memref_slice %arg9[%dma_start3A, %dma_start3A_37] : memref<128x64xf32, #tpu.memory_space<vmem>> -> memref<120x64xf32, #tpu.memory_space<vmem>>
      %dma_start3A_39 = arith.constant 0 : i32
      %dma_start3A_40 = tpu.memref_slice %arg10[%add3A_16, %dma_start3A_39] : memref<10112x64xf32, #tpu.memory_space<vmem_shared>> -> memref<120x64xf32, #tpu.memory_space<vmem_shared>>
      %dma_start3A_41 = arith.constant 0 : i32
      %dma_start3A_42 = tpu.memref_slice %arg10[%add3A_16, %dma_start3A_41] : memref<10112x64xf32, #tpu.memory_space<vmem_shared>> -> memref<120x64xf32, #tpu.memory_space<vmem_shared>>
      %dma_start3A_43 = arith.constant 0 : i32
      %dma_start3A_44 = arith.constant 0 : i32
      %dma_start3A_45 = tpu.memref_slice %arg9[%dma_start3A_43, %dma_start3A_44] : memref<128x64xf32, #tpu.memory_space<vmem>> -> memref<120x64xf32, #tpu.memory_space<vmem>>
      tpu.enqueue_dma source(%dma_start3A_45 : memref<120x64xf32, #tpu.memory_space<vmem>>) target(%dma_start3A_42 : memref<120x64xf32, #tpu.memory_space<vmem_shared>>) target_semaphore(%run_scoped3A : memref<!tpu.dma_semaphore, #tpu.memory_space<semaphore_mem>>)
      %dma_wait3A = arith.constant 0 : i32
      %dma_wait3A_46 = arith.constant 0 : i32
      %dma_wait3A_47 = tpu.memref_slice %arg9[%dma_wait3A, %dma_wait3A_46] : memref<128x64xf32, #tpu.memory_space<vmem>> -> memref<120x64xf32, #tpu.memory_space<vmem>>
      %dma_wait3A_48 = arith.constant 0 : i32
      %dma_wait3A_49 = tpu.memref_slice %arg10[%add3A_16, %dma_wait3A_48] : memref<10112x64xf32, #tpu.memory_space<vmem_shared>> -> memref<120x64xf32, #tpu.memory_space<vmem_shared>>
      %dma_wait3A_50 = arith.constant 0 : i32
      %dma_wait3A_51 = tpu.memref_slice %arg10[%add3A_16, %dma_wait3A_50] : memref<10112x64xf32, #tpu.memory_space<vmem_shared>> -> memref<120x64xf32, #tpu.memory_space<vmem_shared>>
      %dma_wait3A_52 = arith.constant 0 : i32
      %dma_wait3A_53 = arith.constant 0 : i32
      %dma_wait3A_54 = tpu.memref_slice %arg9[%dma_wait3A_52, %dma_wait3A_53] : memref<128x64xf32, #tpu.memory_space<vmem>> -> memref<120x64xf32, #tpu.memory_space<vmem>>
      tpu.wait_dma2 semaphore(%run_scoped3A : memref<!tpu.dma_semaphore, #tpu.memory_space<semaphore_mem>>) src(%dma_wait3A_54 : memref<120x64xf32, #tpu.memory_space<vmem>>) dst(%dma_wait3A_51 : memref<120x64xf32, #tpu.memory_space<vmem_shared>>)
      tpu.yield
    }) : () -> ()
    "tpu.region"() ({
      %run_scoped3A = tpu.sem_alloc : memref<!tpu.dma_semaphore, #tpu.memory_space<semaphore_mem>>
      %dma_start3A = arith.constant 0 : i32
      %dma_start3A_37 = tpu.memref_slice %arg3[%arg1, %dma_start3A] : memref<16x20224xi32, #tpu.memory_space<hbm>> -> memref<1x20224xi32, #tpu.memory_space<hbm>>
      %dma_start3A_38 = tpu.memref_squeeze %dma_start3A_37 : memref<1x20224xi32, #tpu.memory_space<hbm>> -> memref<20224xi32, #tpu.memory_space<hbm>>
      %dma_start3A_39 = arith.constant 0 : i32
      %dma_start3A_40 = tpu.memref_slice %arg3[%arg1, %dma_start3A_39] : memref<16x20224xi32, #tpu.memory_space<hbm>> -> memref<1x20224xi32, #tpu.memory_space<hbm>>
      %dma_start3A_41 = tpu.memref_squeeze %dma_start3A_40 : memref<1x20224xi32, #tpu.memory_space<hbm>> -> memref<20224xi32, #tpu.memory_space<hbm>>
      tpu.enqueue_dma source(%dma_start3A_41 : memref<20224xi32, #tpu.memory_space<hbm>>) target(%arg6 : memref<20224xi32, #tpu.memory_space<vmem>>) target_semaphore(%run_scoped3A : memref<!tpu.dma_semaphore, #tpu.memory_space<semaphore_mem>>)
      %dma_wait3A = arith.constant 0 : i32
      %dma_wait3A_42 = tpu.memref_slice %arg3[%arg1, %dma_wait3A] : memref<16x20224xi32, #tpu.memory_space<hbm>> -> memref<1x20224xi32, #tpu.memory_space<hbm>>
      %dma_wait3A_43 = tpu.memref_squeeze %dma_wait3A_42 : memref<1x20224xi32, #tpu.memory_space<hbm>> -> memref<20224xi32, #tpu.memory_space<hbm>>
      %dma_wait3A_44 = arith.constant 0 : i32
      %dma_wait3A_45 = tpu.memref_slice %arg3[%arg1, %dma_wait3A_44] : memref<16x20224xi32, #tpu.memory_space<hbm>> -> memref<1x20224xi32, #tpu.memory_space<hbm>>
      %dma_wait3A_46 = tpu.memref_squeeze %dma_wait3A_45 : memref<1x20224xi32, #tpu.memory_space<hbm>> -> memref<20224xi32, #tpu.memory_space<hbm>>
      tpu.wait_dma2 semaphore(%run_scoped3A : memref<!tpu.dma_semaphore, #tpu.memory_space<semaphore_mem>>) src(%dma_wait3A_46 : memref<20224xi32, #tpu.memory_space<hbm>>) dst(%arg6 : memref<20224xi32, #tpu.memory_space<vmem>>)
      tpu.yield
    }) : () -> ()
    "tpu.region"() ({
      %run_scoped3A = tpu.sem_alloc : memref<!tpu.dma_semaphore, #tpu.memory_space<semaphore_mem>>
      %dma_start3A = arith.constant 0 : i32
      %dma_start3A_37 = arith.constant 0 : i32
      %dma_start3A_38 = tpu.memref_slice %arg4[%arg1, %dma_start3A, %dma_start3A_37] : memref<16x158x128xi32, #tpu.memory_space<hbm>> -> memref<1x158x128xi32, #tpu.memory_space<hbm>>
      %dma_start3A_39 = tpu.memref_squeeze %dma_start3A_38 : memref<1x158x128xi32, #tpu.memory_space<hbm>> -> memref<158x128xi32, #tpu.memory_space<hbm>>
      %dma_start3A_40 = arith.constant 0 : i32
      %dma_start3A_41 = arith.constant 0 : i32
      %dma_start3A_42 = tpu.memref_slice %arg4[%arg1, %dma_start3A_40, %dma_start3A_41] : memref<16x158x128xi32, #tpu.memory_space<hbm>> -> memref<1x158x128xi32, #tpu.memory_space<hbm>>
      %dma_start3A_43 = tpu.memref_squeeze %dma_start3A_42 : memref<1x158x128xi32, #tpu.memory_space<hbm>> -> memref<158x128xi32, #tpu.memory_space<hbm>>
      tpu.enqueue_dma source(%dma_start3A_43 : memref<158x128xi32, #tpu.memory_space<hbm>>) target(%arg7 : memref<158x128xi32, #tpu.memory_space<vmem>>) target_semaphore(%run_scoped3A : memref<!tpu.dma_semaphore, #tpu.memory_space<semaphore_mem>>)
      %dma_wait3A = arith.constant 0 : i32
      %dma_wait3A_44 = arith.constant 0 : i32
      %dma_wait3A_45 = tpu.memref_slice %arg4[%arg1, %dma_wait3A, %dma_wait3A_44] : memref<16x158x128xi32, #tpu.memory_space<hbm>> -> memref<1x158x128xi32, #tpu.memory_space<hbm>>
      %dma_wait3A_46 = tpu.memref_squeeze %dma_wait3A_45 : memref<1x158x128xi32, #tpu.memory_space<hbm>> -> memref<158x128xi32, #tpu.memory_space<hbm>>
      %dma_wait3A_47 = arith.constant 0 : i32
      %dma_wait3A_48 = arith.constant 0 : i32
      %dma_wait3A_49 = tpu.memref_slice %arg4[%arg1, %dma_wait3A_47, %dma_wait3A_48] : memref<16x158x128xi32, #tpu.memory_space<hbm>> -> memref<1x158x128xi32, #tpu.memory_space<hbm>>
      %dma_wait3A_50 = tpu.memref_squeeze %dma_wait3A_49 : memref<1x158x128xi32, #tpu.memory_space<hbm>> -> memref<158x128xi32, #tpu.memory_space<hbm>>
      tpu.wait_dma2 semaphore(%run_scoped3A : memref<!tpu.dma_semaphore, #tpu.memory_space<semaphore_mem>>) src(%dma_wait3A_50 : memref<158x128xi32, #tpu.memory_space<hbm>>) dst(%arg7 : memref<158x128xi32, #tpu.memory_space<vmem>>)
      tpu.yield
    }) : () -> ()
    %mul3A_17 = arith.constant 10112 : i32
    %mul3A_18 = arith.muli %arg0, %mul3A_17 : i32
    %scan3A_19 = arith.constant 0 : i32
    %scan3A_20 = arith.constant 0 : i32
    %scan3A_21 = arith.constant 1264 : i32
    %scan3A_22 = arith.addi %scan3A_20, %scan3A_21 : i32
    %scan3A_23 = arith.constant 1 : i32
    %scan3A_24 = scf.for %scan3A_37 = %scan3A_20 to %scan3A_22 step %scan3A_23 iter_args(%scan3A_38 = %scan3A_19) -> (i32)  : i32 {
      %mul3A_39 = arith.constant 16 : i32
      %mul3A_40 = arith.muli %scan3A_37, %mul3A_39 : i32
      %get3A = arith.index_cast %mul3A_40 : i32 to index
      %get3A_41 = tpu.vector_load %arg6[%get3A] {strides = array<i32>} : memref<20224xi32, #tpu.memory_space<vmem>>, vector<16xi32>,
      %get3A_42 = vector.shape_cast %get3A_41 : vector<16xi32> to vector<16xi32>
      %add3A_43 = vector.broadcast %mul3A_18 : i32 to vector<16xi32>
      %add3A_44 = arith.addi %get3A_42, %add3A_43 : vector<16xi32>
      %mul3A_45 = arith.constant 16 : i32
      %mul3A_46 = arith.muli %scan3A_37, %mul3A_45 : i32
      %swap3A = arith.index_cast %mul3A_46 : i32 to index
      %swap3A_47 = tpu.vector_load %arg6[%swap3A] {strides = array<i32>} : memref<20224xi32, #tpu.memory_space<vmem>>, vector<16xi32>,
      %swap3A_48 = vector.shape_cast %swap3A_47 : vector<16xi32> to vector<16xi32>
      %swap3A_49 = vector.shape_cast %add3A_44 : vector<16xi32> to vector<16xi32>
      tpu.vector_store %arg6[%swap3A], %swap3A_49 {strides = array<i32>} : memref<20224xi32, #tpu.memory_space<vmem>>, vector<16xi32>,
      %scan3A_50 = arith.constant 0 : i32
      scf.yield %scan3A_50 : i32
    }
    %scan3A_25 = arith.constant 1264 : i32
    %barrier3A = arith.constant 0 : index
    tpu.barrier barrier_id(%barrier3A)
    %scan3A_26 = arith.constant 0 : i32
    %scan3A_27 = arith.constant 0 : i32
    %scan3A_28 = arith.constant 158 : i32
    %scan3A_29 = arith.addi %scan3A_27, %scan3A_28 : i32
    %scan3A_30 = arith.constant 1 : i32
    %scan3A_31 = scf.for %scan3A_37 = %scan3A_27 to %scan3A_29 step %scan3A_30 iter_args(%scan3A_38 = %scan3A_26) -> (i32)  : i32 {
      %mul3A_39 = arith.constant 128 : i32
      %mul3A_40 = arith.muli %scan3A_37, %mul3A_39 : i32
      %dma_start3A = tpu.memref_slice %arg6[%mul3A_40] : memref<20224xi32, #tpu.memory_space<vmem>> -> memref<128xi32, #tpu.memory_space<vmem>>
      %dma_start3A_41 = arith.constant 0 : i32
      %dma_start3A_42 = arith.constant 0 : i32
      %dma_start3A_43 = tpu.memref_slice %arg2[%dma_start3A_41, %dma_start3A_42] : memref<20224x64xf32, #tpu.memory_space<hbm>> -> memref<20224x64xf32, #tpu.memory_space<hbm>>
      tpu.enqueue_indirect_dma source(%dma_start3A_43 : memref<20224x64xf32, #tpu.memory_space<hbm>>) target(%arg8 : memref<128x64xf32, #tpu.memory_space<vmem>>) offsets(%dma_start3A : memref<128xi32, #tpu.memory_space<vmem>>) semaphore(%arg11 : memref<!tpu.dma_semaphore, #tpu.memory_space<semaphore_mem>>)
      %dma_wait3A = tpu.memref_slice %arg6[%mul3A_40] : memref<20224xi32, #tpu.memory_space<vmem>> -> memref<128xi32, #tpu.memory_space<vmem>>
      %dma_wait3A_44 = arith.constant 0 : i32
      %dma_wait3A_45 = arith.constant 0 : i32
      %dma_wait3A_46 = tpu.memref_slice %arg2[%dma_wait3A_44, %dma_wait3A_45] : memref<20224x64xf32, #tpu.memory_space<hbm>> -> memref<20224x64xf32, #tpu.memory_space<hbm>>
      tpu.wait_indirect_dma semaphore(%arg11 : memref<!tpu.dma_semaphore, #tpu.memory_space<semaphore_mem>>) src(%dma_wait3A_46 : memref<20224x64xf32, #tpu.memory_space<hbm>>) dst(%arg8 : memref<128x64xf32, #tpu.memory_space<vmem>>)
      "tpu.region"() ({
        %run_scoped3A = tpu.sem_alloc : memref<!tpu.dma_semaphore, #tpu.memory_space<semaphore_mem>>
        %dma_start3A_48 = arith.constant 0 : i32
        %dma_start3A_49 = tpu.memref_slice %arg7[%scan3A_37, %dma_start3A_48] : memref<158x128xi32, #tpu.memory_space<vmem>> -> memref<1x128xi32, #tpu.memory_space<vmem>>
        %dma_start3A_50 = tpu.memref_squeeze %dma_start3A_49 : memref<1x128xi32, #tpu.memory_space<vmem>> -> memref<128xi32, #tpu.memory_space<vmem>>
        %dma_start3A_51 = arith.constant 0 : i32
        %dma_start3A_52 = arith.constant 0 : i32
        %dma_start3A_53 = tpu.memref_slice %arg10[%dma_start3A_51, %dma_start3A_52] : memref<10112x64xf32, #tpu.memory_space<vmem_shared>> -> memref<10112x64xf32, #tpu.memory_space<vmem_shared>>
        tpu.enqueue_indirect_dma source(%arg8 : memref<128x64xf32, #tpu.memory_space<vmem>>) target(%dma_start3A_53 : memref<10112x64xf32, #tpu.memory_space<vmem_shared>>) offsets(%dma_start3A_50 : memref<128xi32, #tpu.memory_space<vmem>>) semaphore(%run_scoped3A : memref<!tpu.dma_semaphore, #tpu.memory_space<semaphore_mem>>) {add = true}
        %dma_wait3A_54 = arith.constant 0 : i32
        %dma_wait3A_55 = tpu.memref_slice %arg7[%scan3A_37, %dma_wait3A_54] : memref<158x128xi32, #tpu.memory_space<vmem>> -> memref<1x128xi32, #tpu.memory_space<vmem>>
        %dma_wait3A_56 = tpu.memref_squeeze %dma_wait3A_55 : memref<1x128xi32, #tpu.memory_space<vmem>> -> memref<128xi32, #tpu.memory_space<vmem>>
        %dma_wait3A_57 = arith.constant 0 : i32
        %dma_wait3A_58 = arith.constant 0 : i32
        %dma_wait3A_59 = tpu.memref_slice %arg10[%dma_wait3A_57, %dma_wait3A_58] : memref<10112x64xf32, #tpu.memory_space<vmem_shared>> -> memref<10112x64xf32, #tpu.memory_space<vmem_shared>>
        tpu.wait_indirect_dma semaphore(%run_scoped3A : memref<!tpu.dma_semaphore, #tpu.memory_space<semaphore_mem>>) src(%arg8 : memref<128x64xf32, #tpu.memory_space<vmem>>) dst(%dma_wait3A_59 : memref<10112x64xf32, #tpu.memory_space<vmem_shared>>)
        tpu.yield
      }) : () -> ()
      %scan3A_47 = arith.constant 0 : i32
      scf.yield %scan3A_47 : i32
    }
    %scan3A_32 = arith.constant 158 : i32
    %barrier3A_33 = arith.constant 0 : index
    tpu.barrier barrier_id(%barrier3A_33)
    %mul3A_34 = arith.constant 10112 : i32
    %mul3A_35 = arith.muli %arg0, %mul3A_34 : i32
    %add3A_36 = arith.addi %mul3A_35, %mul3A_7 : i32
    "tpu.region"() ({
      %run_scoped3A = tpu.sem_alloc : memref<!tpu.dma_semaphore, #tpu.memory_space<semaphore_mem>>
      %dma_start3A = arith.constant 0 : i32
      %dma_start3A_37 = tpu.memref_slice %arg5[%add3A_36, %dma_start3A] : memref<20224x64xf32, #tpu.memory_space<hbm>> -> memref<632x64xf32, #tpu.memory_space<hbm>>
      %dma_start3A_38 = arith.constant 0 : i32
      %dma_start3A_39 = tpu.memref_slice %arg10[%mul3A_7, %dma_start3A_38] : memref<10112x64xf32, #tpu.memory_space<vmem_shared>> -> memref<632x64xf32, #tpu.memory_space<vmem_shared>>
      tpu.enqueue_dma source(%dma_start3A_39 : memref<632x64xf32, #tpu.memory_space<vmem_shared>>) target(%dma_start3A_37 : memref<632x64xf32, #tpu.memory_space<hbm>>) target_semaphore(%run_scoped3A : memref<!tpu.dma_semaphore, #tpu.memory_space<semaphore_mem>>)
      %dma_wait3A = arith.constant 0 : i32
      %dma_wait3A_40 = tpu.memref_slice %arg5[%add3A_36, %dma_wait3A] : memref<20224x64xf32, #tpu.memory_space<hbm>> -> memref<632x64xf32, #tpu.memory_space<hbm>>
      %dma_wait3A_41 = arith.constant 0 : i32
      %dma_wait3A_42 = tpu.memref_slice %arg10[%mul3A_7, %dma_wait3A_41] : memref<10112x64xf32, #tpu.memory_space<vmem_shared>> -> memref<632x64xf32, #tpu.memory_space<vmem_shared>>
      tpu.wait_dma2 semaphore(%run_scoped3A : memref<!tpu.dma_semaphore, #tpu.memory_space<semaphore_mem>>) src(%dma_wait3A_42 : memref<632x64xf32, #tpu.memory_space<vmem_shared>>) dst(%dma_wait3A_40 : memref<632x64xf32, #tpu.memory_space<hbm>>)
      tpu.yield
    }) : () -> ()
    return
  }
}

module attributes {stable_mosaic.version = 14 : i64} {
  func.func @_tc1_body(%arg0: i32, %arg1: memref<1264x128xf32, #tpu.memory_space<vmem>>, %arg2: memref<128x128xf32, #tpu.memory_space<vmem>>, %arg3: memref<2x1264x16xf32, #tpu.memory_space<vmem>>, %arg4: memref<2x1264x64xf32, #tpu.memory_space<vmem>>) attributes {dimension_semantics = [#tpu.dimension_semantics<arbitrary>], iteration_bounds = array<i64: 8>, scalar_prefetch = 0 : i64, scratch_operands = 0 : i64, tpu.core_type = #tpu.core_type<tc>, window_params = [{transform_indices = @transform_0, window_bounds = array<i64: 1264, 128>}, {pipeline_mode = #tpu.pipeline_mode<synchronous>, transform_indices = @transform_1, window_bounds = array<i64: 128, 128>}, {transform_indices = @transform_2, window_bounds = array<i64: 2, 1264, 16>}, {transform_indices = @transform_3, window_bounds = array<i64: 2, 1264, 64>}]} {
    %get3A = arith.constant 0 : index
    %get3A_0 = arith.constant 0 : index
    %get3A_1 = arith.constant 0 : index
    %get3A_2 = vector.load %arg3[%get3A, %get3A_0, %get3A_1] : memref<2x1264x16xf32, #tpu.memory_space<vmem>>, vector<1x1264x1xf32>
    %get3A_3 = vector.shape_cast %get3A_2 : vector<1x1264x1xf32> to vector<1264x1xf32>
    %get3A_4 = arith.constant 1 : index
    %get3A_5 = arith.constant 0 : index
    %get3A_6 = arith.constant 0 : index
    %get3A_7 = vector.load %arg3[%get3A_4, %get3A_5, %get3A_6] : memref<2x1264x16xf32, #tpu.memory_space<vmem>>, vector<1x1264x1xf32>
    %get3A_8 = vector.shape_cast %get3A_7 : vector<1x1264x1xf32> to vector<1264x1xf32>
    %add3A = arith.addf %get3A_3, %get3A_8 : vector<1264x1xf32>
    %add3A_9 = arith.constant 1.000000e+00 : f32
    %add3A_10 = vector.broadcast %add3A_9 : f32 to vector<1264x1xf32>
    %add3A_11 = arith.addf %add3A, %add3A_10 : vector<1264x1xf32>
    %rsqrt3A = math.rsqrt %add3A_11 : vector<1264x1xf32>
    %get3A_12 = arith.constant 0 : index
    %get3A_13 = arith.constant 0 : index
    %get3A_14 = vector.load %arg1[%get3A_12, %get3A_13] : memref<1264x128xf32, #tpu.memory_space<vmem>>, vector<1264x128xf32>
    %get3A_15 = arith.constant 0 : index
    %get3A_16 = arith.constant 0 : index
    %get3A_17 = vector.load %arg2[%get3A_15, %get3A_16] : memref<128x128xf32, #tpu.memory_space<vmem>>, vector<128x128xf32>
    %dot_general3A = arith.constant dense<0.000000e+00> : vector<1264x128xf32>
    %dot_general3A_18 = tpu.matmul %get3A_14, %get3A_17, %dot_general3A {dimension_numbers = #tpu.dot_dimension_numbers<[1], [0], [0], [1], [0, 0, 1, 1], [], []>, transpose_lhs_hint = false} : vector<1264x128xf32>, vector<128x128xf32>, vector<1264x128xf32> -> vector<1264x128xf32>
    %mul3A = vector.broadcast %rsqrt3A : vector<1264x1xf32> to vector<1264x128xf32>
    %mul3A_19 = arith.mulf %mul3A, %dot_general3A_18 : vector<1264x128xf32>
    %slice3A = vector.extract_strided_slice %mul3A_19 {offsets = [0, 0], sizes = [1264, 64], strides = [1, 1]} : vector<1264x128xf32> to vector<1264x64xf32>
    %swap3A = arith.constant 0 : index
    %swap3A_20 = arith.constant 0 : index
    %swap3A_21 = arith.constant 0 : index
    %swap3A_22 = vector.load %arg4[%swap3A, %swap3A_20, %swap3A_21] : memref<2x1264x64xf32, #tpu.memory_space<vmem>>, vector<1x1264x64xf32>
    %swap3A_23 = vector.shape_cast %swap3A_22 : vector<1x1264x64xf32> to vector<1264x64xf32>
    %swap3A_24 = vector.shape_cast %slice3A : vector<1264x64xf32> to vector<1x1264x64xf32>
    tpu.vector_store %arg4[%swap3A, %swap3A_20, %swap3A_21], %swap3A_24 {strides = array<i32>} : memref<2x1264x64xf32, #tpu.memory_space<vmem>>, vector<1x1264x64xf32>,
    %slice3A_25 = vector.extract_strided_slice %mul3A_19 {offsets = [0, 64], sizes = [1264, 64], strides = [1, 1]} : vector<1264x128xf32> to vector<1264x64xf32>
    %swap3A_26 = arith.constant 1 : index
    %swap3A_27 = arith.constant 0 : index
    %swap3A_28 = arith.constant 0 : index
    %swap3A_29 = vector.load %arg4[%swap3A_26, %swap3A_27, %swap3A_28] : memref<2x1264x64xf32, #tpu.memory_space<vmem>>, vector<1x1264x64xf32>
    %swap3A_30 = vector.shape_cast %swap3A_29 : vector<1x1264x64xf32> to vector<1264x64xf32>
    %swap3A_31 = vector.shape_cast %slice3A_25 : vector<1264x64xf32> to vector<1x1264x64xf32>
    tpu.vector_store %arg4[%swap3A_26, %swap3A_27, %swap3A_28], %swap3A_31 {strides = array<i32>} : memref<2x1264x64xf32, #tpu.memory_space<vmem>>, vector<1x1264x64xf32>,
    return
  }
  func.func @transform_0(%arg0: i32) -> (i32, i32) {
    %c0_i32 = arith.constant 0 : i32
    %c0_i32_0 = arith.constant 0 : i32
    return %arg0, %c0_i32 : i32, i32
  }
  func.func @transform_1(%arg0: i32) -> (i32, i32) {
    %c0_i32 = arith.constant 0 : i32
    %c0_i32_0 = arith.constant 0 : i32
    %c0_i32_1 = arith.constant 0 : i32
    return %c0_i32, %c0_i32_0 : i32, i32
  }
  func.func @transform_2(%arg0: i32) -> (i32, i32, i32) {
    %c0_i32 = arith.constant 0 : i32
    %c0_i32_0 = arith.constant 0 : i32
    %c0_i32_1 = arith.constant 0 : i32
    return %c0_i32, %arg0, %c0_i32_0 : i32, i32, i32
  }
  func.func @transform_3(%arg0: i32) -> (i32, i32, i32) {
    %c0_i32 = arith.constant 0 : i32
    %c0_i32_0 = arith.constant 0 : i32
    %c0_i32_1 = arith.constant 0 : i32
    return %c0_i32, %arg0, %c0_i32_0 : i32, i32, i32
  }
}

module attributes {stable_mosaic.version = 14 : i64} {
  func.func @_tc2_body(%arg0: i32, %arg1: memref<2x1264x64xf32, #tpu.memory_space<vmem>>, %arg2: memref<2x1264x64xf32, #tpu.memory_space<vmem>>, %arg3: memref<2x1264x16xf32, #tpu.memory_space<vmem>>, %arg4: memref<1x128xf32, #tpu.memory_space<vmem>>, %arg5: memref<128x128xf32, #tpu.memory_space<vmem>>, %arg6: memref<2x1264x64xf32, #tpu.memory_space<vmem>>) attributes {dimension_semantics = [#tpu.dimension_semantics<arbitrary>], iteration_bounds = array<i64: 8>, scalar_prefetch = 0 : i64, scratch_operands = 0 : i64, tpu.core_type = #tpu.core_type<tc>, window_params = [{transform_indices = @transform_0, window_bounds = array<i64: 2, 1264, 64>}, {transform_indices = @transform_1, window_bounds = array<i64: 2, 1264, 64>}, {transform_indices = @transform_2, window_bounds = array<i64: 2, 1264, 16>}, {pipeline_mode = #tpu.pipeline_mode<synchronous>, transform_indices = @transform_3, window_bounds = array<i64: 1, 128>}, {pipeline_mode = #tpu.pipeline_mode<synchronous>, transform_indices = @transform_4, window_bounds = array<i64: 128, 128>}, {transform_indices = @transform_5, window_bounds = array<i64: 2, 1264, 64>}]} {
    %get3A = arith.constant 0 : index
    %get3A_0 = arith.constant 0 : index
    %get3A_1 = arith.constant 0 : index
    %get3A_2 = vector.load %arg3[%get3A, %get3A_0, %get3A_1] : memref<2x1264x16xf32, #tpu.memory_space<vmem>>, vector<1x1264x1xf32>
    %get3A_3 = vector.shape_cast %get3A_2 : vector<1x1264x1xf32> to vector<1264x1xf32>
    %get3A_4 = arith.constant 1 : index
    %get3A_5 = arith.constant 0 : index
    %get3A_6 = arith.constant 0 : index
    %get3A_7 = vector.load %arg3[%get3A_4, %get3A_5, %get3A_6] : memref<2x1264x16xf32, #tpu.memory_space<vmem>>, vector<1x1264x1xf32>
    %get3A_8 = vector.shape_cast %get3A_7 : vector<1x1264x1xf32> to vector<1264x1xf32>
    %add3A = arith.addf %get3A_3, %get3A_8 : vector<1264x1xf32>
    %add3A_9 = arith.constant 1.000000e+00 : f32
    %add3A_10 = vector.broadcast %add3A_9 : f32 to vector<1264x1xf32>
    %add3A_11 = arith.addf %add3A, %add3A_10 : vector<1264x1xf32>
    %rsqrt3A = math.rsqrt %add3A_11 : vector<1264x1xf32>
    %get3A_12 = arith.constant 0 : index
    %get3A_13 = arith.constant 0 : index
    %get3A_14 = arith.constant 0 : index
    %get3A_15 = vector.load %arg1[%get3A_12, %get3A_13, %get3A_14] : memref<2x1264x64xf32, #tpu.memory_space<vmem>>, vector<2x1264x64xf32>
    %slice3A = vector.extract_strided_slice %get3A_15 {offsets = [0, 0, 0], sizes = [1, 1264, 64], strides = [1, 1, 1]} : vector<2x1264x64xf32> to vector<1x1264x64xf32>
    %squeeze3A = vector.shape_cast %slice3A : vector<1x1264x64xf32> to vector<1264x64xf32>
    %slice3A_16 = vector.extract_strided_slice %get3A_15 {offsets = [1, 0, 0], sizes = [1, 1264, 64], strides = [1, 1, 1]} : vector<2x1264x64xf32> to vector<1x1264x64xf32>
    %squeeze3A_17 = vector.shape_cast %slice3A_16 : vector<1x1264x64xf32> to vector<1264x64xf32>
    %concatenate3A = tpu.concatenate %squeeze3A, %squeeze3A_17 in 1 : vector<1264x64xf32>, vector<1264x64xf32> -> vector<1264x128xf32>
    %get3A_18 = arith.constant 0 : index
    %get3A_19 = arith.constant 0 : index
    %get3A_20 = arith.constant 0 : index
    %get3A_21 = vector.load %arg2[%get3A_18, %get3A_19, %get3A_20] : memref<2x1264x64xf32, #tpu.memory_space<vmem>>, vector<2x1264x64xf32>
    %slice3A_22 = vector.extract_strided_slice %get3A_21 {offsets = [0, 0, 0], sizes = [1, 1264, 64], strides = [1, 1, 1]} : vector<2x1264x64xf32> to vector<1x1264x64xf32>
    %squeeze3A_23 = vector.shape_cast %slice3A_22 : vector<1x1264x64xf32> to vector<1264x64xf32>
    %slice3A_24 = vector.extract_strided_slice %get3A_21 {offsets = [1, 0, 0], sizes = [1, 1264, 64], strides = [1, 1, 1]} : vector<2x1264x64xf32> to vector<1x1264x64xf32>
    %squeeze3A_25 = vector.shape_cast %slice3A_24 : vector<1x1264x64xf32> to vector<1264x64xf32>
    %concatenate3A_26 = tpu.concatenate %squeeze3A_23, %squeeze3A_25 in 1 : vector<1264x64xf32>, vector<1264x64xf32> -> vector<1264x128xf32>
    %add3A_27 = arith.addf %concatenate3A, %concatenate3A_26 : vector<1264x128xf32>
    %mul3A = vector.broadcast %rsqrt3A : vector<1264x1xf32> to vector<1264x128xf32>
    %mul3A_28 = arith.mulf %mul3A, %add3A_27 : vector<1264x128xf32>
    %get3A_29 = arith.constant 0 : index
    %get3A_30 = arith.constant 0 : index
    %get3A_31 = vector.load %arg4[%get3A_29, %get3A_30] : memref<1x128xf32, #tpu.memory_space<vmem>>, vector<1x128xf32>
    %add3A_32 = vector.broadcast %get3A_31 : vector<1x128xf32> to vector<1264x128xf32>
    %add3A_33 = arith.addf %mul3A_28, %add3A_32 : vector<1264x128xf32>
    %max3A = arith.constant 0.000000e+00 : f32
    %max3A_34 = vector.broadcast %max3A : f32 to vector<1264x128xf32>
    %max3A_35 = arith.maximumf %add3A_33, %max3A_34 : vector<1264x128xf32>
    %get3A_36 = arith.constant 0 : index
    %get3A_37 = arith.constant 0 : index
    %get3A_38 = vector.load %arg5[%get3A_36, %get3A_37] : memref<128x128xf32, #tpu.memory_space<vmem>>, vector<128x128xf32>
    %dot_general3A = arith.constant dense<0.000000e+00> : vector<1264x128xf32>
    %dot_general3A_39 = tpu.matmul %max3A_35, %get3A_38, %dot_general3A {dimension_numbers = #tpu.dot_dimension_numbers<[1], [0], [0], [1], [0, 0, 1, 1], [], []>, transpose_lhs_hint = false} : vector<1264x128xf32>, vector<128x128xf32>, vector<1264x128xf32> -> vector<1264x128xf32>
    %mul3A_40 = vector.broadcast %rsqrt3A : vector<1264x1xf32> to vector<1264x128xf32>
    %mul3A_41 = arith.mulf %mul3A_40, %dot_general3A_39 : vector<1264x128xf32>
    %slice3A_42 = vector.extract_strided_slice %mul3A_41 {offsets = [0, 0], sizes = [1264, 64], strides = [1, 1]} : vector<1264x128xf32> to vector<1264x64xf32>
    %swap3A = arith.constant 0 : index
    %swap3A_43 = arith.constant 0 : index
    %swap3A_44 = arith.constant 0 : index
    %swap3A_45 = vector.load %arg6[%swap3A, %swap3A_43, %swap3A_44] : memref<2x1264x64xf32, #tpu.memory_space<vmem>>, vector<1x1264x64xf32>
    %swap3A_46 = vector.shape_cast %swap3A_45 : vector<1x1264x64xf32> to vector<1264x64xf32>
    %swap3A_47 = vector.shape_cast %slice3A_42 : vector<1264x64xf32> to vector<1x1264x64xf32>
    tpu.vector_store %arg6[%swap3A, %swap3A_43, %swap3A_44], %swap3A_47 {strides = array<i32>} : memref<2x1264x64xf32, #tpu.memory_space<vmem>>, vector<1x1264x64xf32>,
    %slice3A_48 = vector.extract_strided_slice %mul3A_41 {offsets = [0, 64], sizes = [1264, 64], strides = [1, 1]} : vector<1264x128xf32> to vector<1264x64xf32>
    %swap3A_49 = arith.constant 1 : index
    %swap3A_50 = arith.constant 0 : index
    %swap3A_51 = arith.constant 0 : index
    %swap3A_52 = vector.load %arg6[%swap3A_49, %swap3A_50, %swap3A_51] : memref<2x1264x64xf32, #tpu.memory_space<vmem>>, vector<1x1264x64xf32>
    %swap3A_53 = vector.shape_cast %swap3A_52 : vector<1x1264x64xf32> to vector<1264x64xf32>
    %swap3A_54 = vector.shape_cast %slice3A_48 : vector<1264x64xf32> to vector<1x1264x64xf32>
    tpu.vector_store %arg6[%swap3A_49, %swap3A_50, %swap3A_51], %swap3A_54 {strides = array<i32>} : memref<2x1264x64xf32, #tpu.memory_space<vmem>>, vector<1x1264x64xf32>,
    return
  }
  func.func @transform_0(%arg0: i32) -> (i32, i32, i32) {
    %c0_i32 = arith.constant 0 : i32
    %c0_i32_0 = arith.constant 0 : i32
    %c0_i32_1 = arith.constant 0 : i32
    return %c0_i32, %arg0, %c0_i32_0 : i32, i32, i32
  }
  func.func @transform_1(%arg0: i32) -> (i32, i32, i32) {
    %c0_i32 = arith.constant 0 : i32
    %c0_i32_0 = arith.constant 0 : i32
    %c0_i32_1 = arith.constant 0 : i32
    return %c0_i32, %arg0, %c0_i32_0 : i32, i32, i32
  }
  func.func @transform_2(%arg0: i32) -> (i32, i32, i32) {
    %c0_i32 = arith.constant 0 : i32
    %c0_i32_0 = arith.constant 0 : i32
    %c0_i32_1 = arith.constant 0 : i32
    return %c0_i32, %arg0, %c0_i32_0 : i32, i32, i32
  }
  func.func @transform_3(%arg0: i32) -> (i32, i32) {
    %c0_i32 = arith.constant 0 : i32
    %c0_i32_0 = arith.constant 0 : i32
    %c0_i32_1 = arith.constant 0 : i32
    return %c0_i32, %c0_i32_0 : i32, i32
  }
  func.func @transform_4(%arg0: i32) -> (i32, i32) {
    %c0_i32 = arith.constant 0 : i32
    %c0_i32_0 = arith.constant 0 : i32
    %c0_i32_1 = arith.constant 0 : i32
    return %c0_i32, %c0_i32_0 : i32, i32
  }
  func.func @transform_5(%arg0: i32) -> (i32, i32, i32) {
    %c0_i32 = arith.constant 0 : i32
    %c0_i32_0 = arith.constant 0 : i32
    %c0_i32_1 = arith.constant 0 : i32
    return %c0_i32, %arg0, %c0_i32_0 : i32, i32, i32
  }
}

module attributes {stable_mosaic.version = 14 : i64} {
  func.func @_tc3_body(%arg0: i32, %arg1: memref<2x1264x64xf32, #tpu.memory_space<vmem>>, %arg2: memref<2x1264x64xf32, #tpu.memory_space<vmem>>, %arg3: memref<2x1264x16xf32, #tpu.memory_space<vmem>>, %arg4: memref<1x128xf32, #tpu.memory_space<vmem>>, %arg5: memref<1264x128xf32, #tpu.memory_space<vmem>>) attributes {dimension_semantics = [#tpu.dimension_semantics<arbitrary>], iteration_bounds = array<i64: 8>, scalar_prefetch = 0 : i64, scratch_operands = 0 : i64, tpu.core_type = #tpu.core_type<tc>, window_params = [{transform_indices = @transform_0, window_bounds = array<i64: 2, 1264, 64>}, {transform_indices = @transform_1, window_bounds = array<i64: 2, 1264, 64>}, {transform_indices = @transform_2, window_bounds = array<i64: 2, 1264, 16>}, {pipeline_mode = #tpu.pipeline_mode<synchronous>, transform_indices = @transform_3, window_bounds = array<i64: 1, 128>}, {transform_indices = @transform_4, window_bounds = array<i64: 1264, 128>}]} {
    %get3A = arith.constant 0 : index
    %get3A_0 = arith.constant 0 : index
    %get3A_1 = arith.constant 0 : index
    %get3A_2 = vector.load %arg3[%get3A, %get3A_0, %get3A_1] : memref<2x1264x16xf32, #tpu.memory_space<vmem>>, vector<1x1264x1xf32>
    %get3A_3 = vector.shape_cast %get3A_2 : vector<1x1264x1xf32> to vector<1264x1xf32>
    %get3A_4 = arith.constant 1 : index
    %get3A_5 = arith.constant 0 : index
    %get3A_6 = arith.constant 0 : index
    %get3A_7 = vector.load %arg3[%get3A_4, %get3A_5, %get3A_6] : memref<2x1264x16xf32, #tpu.memory_space<vmem>>, vector<1x1264x1xf32>
    %get3A_8 = vector.shape_cast %get3A_7 : vector<1x1264x1xf32> to vector<1264x1xf32>
    %add3A = arith.addf %get3A_3, %get3A_8 : vector<1264x1xf32>
    %add3A_9 = arith.constant 1.000000e+00 : f32
    %add3A_10 = vector.broadcast %add3A_9 : f32 to vector<1264x1xf32>
    %add3A_11 = arith.addf %add3A, %add3A_10 : vector<1264x1xf32>
    %rsqrt3A = math.rsqrt %add3A_11 : vector<1264x1xf32>
    %get3A_12 = arith.constant 0 : index
    %get3A_13 = arith.constant 0 : index
    %get3A_14 = arith.constant 0 : index
    %get3A_15 = vector.load %arg1[%get3A_12, %get3A_13, %get3A_14] : memref<2x1264x64xf32, #tpu.memory_space<vmem>>, vector<2x1264x64xf32>
    %slice3A = vector.extract_strided_slice %get3A_15 {offsets = [0, 0, 0], sizes = [1, 1264, 64], strides = [1, 1, 1]} : vector<2x1264x64xf32> to vector<1x1264x64xf32>
    %squeeze3A = vector.shape_cast %slice3A : vector<1x1264x64xf32> to vector<1264x64xf32>
    %slice3A_16 = vector.extract_strided_slice %get3A_15 {offsets = [1, 0, 0], sizes = [1, 1264, 64], strides = [1, 1, 1]} : vector<2x1264x64xf32> to vector<1x1264x64xf32>
    %squeeze3A_17 = vector.shape_cast %slice3A_16 : vector<1x1264x64xf32> to vector<1264x64xf32>
    %concatenate3A = tpu.concatenate %squeeze3A, %squeeze3A_17 in 1 : vector<1264x64xf32>, vector<1264x64xf32> -> vector<1264x128xf32>
    %get3A_18 = arith.constant 0 : index
    %get3A_19 = arith.constant 0 : index
    %get3A_20 = arith.constant 0 : index
    %get3A_21 = vector.load %arg2[%get3A_18, %get3A_19, %get3A_20] : memref<2x1264x64xf32, #tpu.memory_space<vmem>>, vector<2x1264x64xf32>
    %slice3A_22 = vector.extract_strided_slice %get3A_21 {offsets = [0, 0, 0], sizes = [1, 1264, 64], strides = [1, 1, 1]} : vector<2x1264x64xf32> to vector<1x1264x64xf32>
    %squeeze3A_23 = vector.shape_cast %slice3A_22 : vector<1x1264x64xf32> to vector<1264x64xf32>
    %slice3A_24 = vector.extract_strided_slice %get3A_21 {offsets = [1, 0, 0], sizes = [1, 1264, 64], strides = [1, 1, 1]} : vector<2x1264x64xf32> to vector<1x1264x64xf32>
    %squeeze3A_25 = vector.shape_cast %slice3A_24 : vector<1x1264x64xf32> to vector<1264x64xf32>
    %concatenate3A_26 = tpu.concatenate %squeeze3A_23, %squeeze3A_25 in 1 : vector<1264x64xf32>, vector<1264x64xf32> -> vector<1264x128xf32>
    %add3A_27 = arith.addf %concatenate3A, %concatenate3A_26 : vector<1264x128xf32>
    %mul3A = vector.broadcast %rsqrt3A : vector<1264x1xf32> to vector<1264x128xf32>
    %mul3A_28 = arith.mulf %mul3A, %add3A_27 : vector<1264x128xf32>
    %get3A_29 = arith.constant 0 : index
    %get3A_30 = arith.constant 0 : index
    %get3A_31 = vector.load %arg4[%get3A_29, %get3A_30] : memref<1x128xf32, #tpu.memory_space<vmem>>, vector<1x128xf32>
    %add3A_32 = vector.broadcast %get3A_31 : vector<1x128xf32> to vector<1264x128xf32>
    %add3A_33 = arith.addf %mul3A_28, %add3A_32 : vector<1264x128xf32>
    %swap3A = arith.constant 0 : index
    %swap3A_34 = arith.constant 0 : index
    %swap3A_35 = vector.load %arg5[%swap3A, %swap3A_34] : memref<1264x128xf32, #tpu.memory_space<vmem>>, vector<1264x128xf32>
    tpu.vector_store %arg5[%swap3A, %swap3A_34], %add3A_33 {strides = array<i32>} : memref<1264x128xf32, #tpu.memory_space<vmem>>, vector<1264x128xf32>,
    return
  }
  func.func @transform_0(%arg0: i32) -> (i32, i32, i32) {
    %c0_i32 = arith.constant 0 : i32
    %c0_i32_0 = arith.constant 0 : i32
    %c0_i32_1 = arith.constant 0 : i32
    return %c0_i32, %arg0, %c0_i32_0 : i32, i32, i32
  }
  func.func @transform_1(%arg0: i32) -> (i32, i32, i32) {
    %c0_i32 = arith.constant 0 : i32
    %c0_i32_0 = arith.constant 0 : i32
    %c0_i32_1 = arith.constant 0 : i32
    return %c0_i32, %arg0, %c0_i32_0 : i32, i32, i32
  }
  func.func @transform_2(%arg0: i32) -> (i32, i32, i32) {
    %c0_i32 = arith.constant 0 : i32
    %c0_i32_0 = arith.constant 0 : i32
    %c0_i32_1 = arith.constant 0 : i32
    return %c0_i32, %arg0, %c0_i32_0 : i32, i32, i32
  }
  func.func @transform_3(%arg0: i32) -> (i32, i32) {
    %c0_i32 = arith.constant 0 : i32
    %c0_i32_0 = arith.constant 0 : i32
    %c0_i32_1 = arith.constant 0 : i32
    return %c0_i32, %c0_i32_0 : i32, i32
  }
  func.func @transform_4(%arg0: i32) -> (i32, i32) {
    %c0_i32 = arith.constant 0 : i32
    %c0_i32_0 = arith.constant 0 : i32
    return %arg0, %c0_i32 : i32, i32
  }
}

</mosaic_0001>

<sc_bundles>
// kernel: kernel.11.cloned.1.call-start
scs
__scs_entry_jumppad:
0x0: {  	(pc) =	sbr.rel $0x88, $3  }
0x1: {  	(tag) =	ssettag $0x0;
	lr =	simm.s32 $0x1  }
0x2: {  	[smem:$0x3F9B] =	sst lr;
	_ =	strace $0xD0000000  }
0x3: {  	_ = 	snop  }
0x4: {  	_ = 	snop  }
0x5: {  	_ = 	snop  }
0x6: {  	_ = 	snop  }
0x7: {  	_ = 	snop  }
__scs_overlays_trampoline_lowered:
0x8: {  	[smem:$0x3FAA] =	sst s0  }
0x9: {  	[smem:$0x3FAB] =	sst s1  }
0xa: {  	[smem:$0x3FAC] =	sst s2  }
0xb: {  	[smem:$0x3FAD] =	sst s3  }
0xc: {  	[smem:$0x3FAE] =	sst s4  }
0xd: {  	[smem:$0x3FAF] =	sst s5  }
0xe: {  	[smem:$0x3FB0] =	sst s6  }
0xf: {  	[smem:$0x3FB1] =	sst s7  }
0x10: {  	[smem:$0x3FB2] =	sst s8  }
0x11: {  	[smem:$0x3FB3] =	sst s9;
	s0 =	simm.s32 @!p0 $0x0  }
0x12: {  	s1 =	sld [smem:$0x3F99];
	s0 =	simm.s32 @p0 $0x1  }
0x13: {  	[smem:$0x3FB4] =	sst s0;
	s0 =	simm.s32 @!p1 $0x0  }
0x14: {  	s2 =	sld [smem:$0x3F98];
	s0 =	simm.s32 @p1 $0x1  }
0x15: {  	[smem:$0x3FB5] =	sst s0;
	s0 =	simm.s32 @!p2 $0x0  }
0x16: {  	s3 =	sld [smem:$0x3FDB];
	s0 =	simm.s32 @p2 $0x1  }
0x17: {  	s4 =	simm.s32 $0x1BF5;
	[smem:$0x3FB7] =	sst s0  }
0x18: {  	s0 =	sld [smem:$0x3F9A];
	_ =	swait.ge [sflag:s4], $0x0  }
0x19: {  	s7 =	sld [smem:$0x3F9B]  }
0x1a: {  	s8 =	sadd.s32 $0xFFFFE003, lr  }
0x1b: {  	s9 =	sadd.s32 $0xFFFFFEF7, lr;
	s5 =	simm.s32 $0xFFFFFFFF;
	p2 =	slt.u32 s8, $0xFFFFF086  }
0x1c: {  	p1 =	slt.u32 s9, $0xF7A;
	s5 =	simm.s32 @!p2 $0x0  }
0x1d: {  	s5 =	simm.s32 @p1 $0x1;
	p0 =	seq.s32 s7, s2  }
0x1e: {  	s7 =	smul.u32 @!p0 $0xF7A, s2;
	p2 =	seq.s32 @!p0 s5, $0x0  }
0x1f: {  	s9 =	smul.u32 $0xF7A, s1;
	s8 =	simm.s32 @!p0 $0x1BF5;
	p2 =	por !p2, p0  }
0x20: {  	[sflag:s8] =	ssyncset.s32 @!p0 $0xFFFFF086;
	s6 =	sadd.s32 @!p0 s3, s7;
	s7 =	simm.s32 @!p0 $0x108  }
0x21: {  	s3 =	sadd.s32 s3, s9;
	s6 =	sadd.s32 @!p0 $0x88, s6;
	s7 =	simm.s32 @p2 $0x1082  }
0x22: {  	[simem:s7], [sflag:s8] =	dma.local @!p0 [hbm:s6], $0xF7A  }
0x23: {  	s9 =	sor.u32 $0xD0000000, s2;
	s6 =	simm.s32 $0x108;
	_ =	swait.ge @!p0 [sflag:s8], $0x0  }
0x24: {  	s3 =	sadd.s32 $0x88, s3;
	s6 =	simm.s32 @!p1 $0x1082;
	[sflag:s4] =	ssyncset.s32 $0xFFFFF086  }
0x25: {  	[simem:s6], [sflag:s4] =	dma.local [hbm:s3], $0xF7A  }
0x26: {  	[smem:$0x3F9B] =	sst s1;
	(tag) =	ssettag s2;
	_ =	strace s9  }
0x27: {  	s1 =	sld [smem:$0x3FAB]  }
0x28: {  	s2 =	sld [smem:$0x3FAC]  }
0x29: {  	s4 =	sld [smem:$0x3FAE]  }
0x2a: {  	p0 =	seq.s32 s5, $0x0;
	s5 =	sld [smem:$0x3FAF]  }
0x2b: {  	s6 =	sld [smem:$0x3FB0]  }
0x2c: {  	s7 =	sld [smem:$0x3FB1]  }
0x2d: {  	s3 =	simm.s32 $0x108;
	s8 =	sld [smem:$0x3FB2]  }
0x2e: {  	s3 =	simm.s32 @!p0 $0x1082;
	s9 =	sld [smem:$0x3FB3]  }
0x2f: {  	lr =	sadd.s32 s0, s3;
	s0 =	sld [smem:$0x3FAA]  }
0x30: {  	s3 =	sld [smem:$0x3FAD]  }
0x31: {  	[smem:$0x3FB6] =	sst s10  }
0x32: {  	s10 =	sld [smem:$0x3FB4];
	_ =	sdelay $0x3  }
0x33: {  	p0 =	seq.s32 s10, $0x1;
	s10 =	sld [smem:$0x3FB6];
	_ =	sdelay $0x3  }
0x34: {  	[smem:$0x3FB6] =	sst s10  }
0x35: {  	s10 =	sld [smem:$0x3FB5];
	_ =	sdelay $0x3  }
0x36: {  	p1 =	seq.s32 s10, $0x1;
	s10 =	sld [smem:$0x3FB6];
	_ =	sdelay $0x3  }
0x37: {  	[smem:$0x3FB6] =	sst s10  }
0x38: {  	s10 =	sld [smem:$0x3FB7]  }
0x39: {  	_ = 	snop;
	(pc) =	sbr.ind lr, $3  }
0x3a: {  	_ = 	snop  }
0x3b: {  	_ = 	snop  }
0x3c: {  	p2 =	seq.s32 s10, $0x1;
	s10 =	sld [smem:$0x3FB6]  }
0x3d: {  	_ =	shalt  }
0x3e: {  	_ =	shalt  }
0x3f: {  	_ =	shalt  }
0x40: {  	_ =	shalt  }
0x41: {  	_ =	shalt  }
0x42: {  	_ =	shalt  }
0x43: {  	_ =	shalt  }
0x44: {  	_ =	shalt  }
0x45: {  	_ =	shalt  }
0x46: {  	_ =	shalt  }
0x47: {  	_ =	shalt  }
0x48: {  	_ =	shalt  }
0x49: {  	_ =	shalt  }
0x4a: {  	_ =	shalt  }
0x4b: {  	_ =	shalt  }
0x4c: {  	_ =	shalt  }
0x4d: {  	_ =	shalt  }
0x4e: {  	_ =	shalt  }
0x4f: {  	_ =	shalt  }
0x50: {  	_ =	shalt  }
0x51: {  	_ =	shalt  }
0x52: {  	_ =	shalt  }
0x53: {  	_ =	shalt  }
0x54: {  	_ =	shalt  }
0x55: {  	_ =	shalt  }
0x56: {  	_ =	shalt  }
0x57: {  	_ =	shalt  }
0x58: {  	_ =	shalt  }
0x59: {  	_ =	shalt  }
0x5a: {  	_ =	shalt  }
0x5b: {  	_ =	shalt  }
0x5c: {  	_ =	shalt  }
0x5d: {  	_ =	shalt  }
0x5e: {  	_ =	shalt  }
0x5f: {  	_ =	shalt  }
0x60: {  	_ =	shalt  }
0x61: {  	_ =	shalt  }
0x62: {  	_ =	shalt  }
0x63: {  	_ =	shalt  }
0x64: {  	_ =	shalt  }
0x65: {  	_ =	shalt  }
0x66: {  	_ =	shalt  }
0x67: {  	_ =	shalt  }
0x68: {  	_ =	shalt  }
0x69: {  	_ =	shalt  }
0x6a: {  	_ =	shalt  }
0x6b: {  	_ =	shalt  }
0x6c: {  	_ =	shalt  }
0x6d: {  	_ =	shalt  }
0x6e: {  	_ =	shalt  }
0x6f: {  	_ =	shalt  }
0x70: {  	_ =	shalt  }
0x71: {  	_ =	shalt  }
0x72: {  	_ =	shalt  }
0x73: {  	_ =	shalt  }
0x74: {  	_ =	shalt  }
0x75: {  	_ =	shalt  }
0x76: {  	_ =	shalt  }
0x77: {  	_ =	shalt  }
0x78: {  	_ =	shalt  }
0x79: {  	_ =	shalt  }
0x7a: {  	_ =	shalt  }
0x7b: {  	_ =	shalt  }
0x7c: {  	_ =	shalt  }
0x7d: {  	_ =	shalt  }
0x7e: {  	_ =	shalt  }
0x7f: {  	_ =	shalt  }
0x80: {  	_ =	shalt  }
0x81: {  	_ =	shalt  }
0x82: {  	_ =	shalt  }
0x83: {  	_ =	shalt  }
0x84: {  	_ =	shalt  }
0x85: {  	_ =	shalt  }
0x86: {  	_ =	shalt  }
0x87: {  	_ =	shalt  }
.Lfunc_end0:
.L_simem_size_0:
called_computation.1_lowered:
.L_overlay_start_0:
0x88: {  	s2 =	sld [smem:$0x3FD9]  }
0x89: {  	s3 =	sld [smem:$0x3FFE];
	_ =	sdelay $0x1  }
0x8a: {  	s1 =	srdreg.scid  }
0x8b: {  	s0 =	sand.u32 $0x1, s1  }
0x8c: {  	s17 =	sshll.u32 s0, $0xA;
	s2 =	sadd.s32 s3, s2  }
0x8d: {  	s2 =	sadd.s32 s2, s17  }
0x8e: {  	[smem:$0x3FC2] =	sst s2  }
0x8f: {  	_ = 	snop  }
0x90: {  	s2 =	sld [smem:$0x3FD0];
	(tm) =	ssettm $0x1  }
0x91: {  	s18 =	sld [smem:$0x3FFB];
	_ =	sdelay $0x3  }
0x92: {  	_ =	strace s18  }
0x93: {  	s3 =	sld [smem:$0x3FFC];
	_ =	sdelay $0x3  }
0x94: {  	_ =	strace s3  }
0x95: {  	s3 =	sld [smem:$0x3FFD];
	_ =	sdelay $0x3  }
0x96: {  	_ =	strace s3  }
0x97: {  	_ =	strace $0x8FFFFFFF  }
0x98: {  	s19 =	sld [smem:$0x3FDB];
	_ =	sdelay $0x1  }
0x99: {  	s4 =	simm.s32 $_scs_section_size  }
0x9a: {  	s5 =	simm.s32 $_size__tile_overlayer_lowered;
	s6 =	simm.s32 $_tile_overlayer_lowered  }
0x9b: {  	s22 =	simm.s32 $0x1BFF;
	s21 =	sshll.u32 s6, $0x1;
	s3 =	sadd.s32 s4, s19  }
0x9c: {  	s7 =	simm.s32 $0x0;
	s20 =	sshll.u32 s5, $0x1;
	s5 =	sadd.s32 s21, s3  }
0x9d: {  	[timem:s7], [sflag:s22] =	dma.local [hbm:s5], s20  }
0x9e: {  	_ =	swait.ge [sflag:s22], s20  }
0x9f: {  	s4 =	ssub.s32 $0x0, s20;
	[sflag:s22] =	ssyncset.done $0x0  }
0xa0: {  	[sflag:s22] =	ssyncadd.s32 s4;
	_ =	sdelay $0x1  }
0xa1: {  	s23 =	simm.s32 $0x1B8B  }
0xa2: {  	_ =	swait.ge [sflag:s23], $0x1  }
0xa3: {  	[sflag:s23] =	ssyncset.done $0x0  }
0xa4: {  	s25 =	simm.s32 $0x1B8E;
	s24 =	sld [smem:$0x3FFE];
	[sflag:s23] =	ssyncadd.s32 $0xFFFFFFFF  }
0xa5: {  	s26 =	simm.s32 $execute0_lowered;
	[smem:$0x3FD2] =	sst s25  }
0xa6: {  	s5 =	sshll.u32 s26, $0x1;
	_ =	strace $0x80000049;
	[dreg:$0x1] =	wrdreg $0xFFFFFFFF  }
0xa7: {  	s28 =	simm.s32 $_size_execute0_lowered;
	s3 =	sadd.s32 s3, s5;
	[dreg:$0x0] =	wrdreg $0x0  }
0xa8: {  	s5 =	sshll.u32 s28, $0x1;
	[dreg:$0x2] =	wrdreg s3  }
0xa9: {  	[dreg:$0x3] =	wrdreg s5  }
0xaa: {  	[dreg:$0x4] =	wrdreg $0xC0  }
0xab: {  	_ =	task [dreg:s7], $0x5FFFF  }
0xac: {  	[dreg:$0x1] =	wrdreg $0xFFFFFFFF  }
0xad: {  	[dreg:$0x0] =	wrdreg $0x60  }
0xae: {  	[dreg:$0x2] =	wrdreg s24  }
0xaf: {  	[dreg:$0x3] =	wrdreg s2  }
0xb0: {  	[dreg:$0x4] =	wrdreg $0xDE000  }
0xb1: {  	[dreg:$0x5] =	wrdreg $0x9  }
0xb2: {  	_ =	task.clear_ibuf [dreg:s7], $0x6FFFF;
	_ =	strace $0x90000049  }
0xb3: {  	s29 =	simm.s32 $0x9;
	_ =	strace $0x8000004B  }
0xb4: {  	_ =	swait.ge [sflag:s29], $0x1  }
0xb5: {  	[sflag:s29] =	ssyncadd.s32 $0xFFFFFFFF  }
0xb6: {  	_ =	strace $0x9000004B  }
0xb7: {  	_ =	sfence  }
0xb8: {  	s30 =	sld [smem:$0x0];
	_ =	sdelay $0x2  }
0xb9: {  	s31 =	sshll.u32 s1, $0xD;
	s1 =	sshrl.u32 s1, $0x2  }
0xba: {  	s3 =	sand.u32 $0x4000, s31;
	s1 =	sadd.s32 s1, s30  }
0xbb: {  	s0 =	sor.u32 s3, s0;
	s1 =	sshll.u32 s1, $0x11  }
0xbc: {  	s0 =	sor.u32 s1, s0  }
0xbd: {  	s0 =	sadd.s32 $0x8F2B, s0  }
0xbe: {  	[sflag:s0] =	ssyncadd.remote.s32 $0x1  }
0xbf: {  	_ =	sfence.sel $0xFFFF  }
0xc0: {  	[dreg:$0x0] =	wrdreg $0xFFFFFFFF;
	(pc) =	sbr.abs _section_cstart, $3  }
0xc1: {  	[dreg:$0x1] =	wrdreg $0xFFFFFFFF  }
0xc2: {  	_ =	task.clear_ibuf [dreg:s7], $0x2FFFF;
	_ =	strace $0x9FFFFFFF  }
0xc3: {  	(tm) =	ssettm $0x7FFFFFFF  }
tec
execute0_lowered:
.L_overlay_start_1:
0x0: {  	(tag) =	ssettag $0x1  }
0x1: {  	s6 =	rddreg [dreg:$0x0]  }
0x2: {  	s11 =	rddreg [dreg:$0x1]  }
0x3: {  	s0 =	stileid.u32;
	s1 =	srdreg.scid  }
0x4: {  	s2 =	rddreg [dreg:$0x2];
	s3 =	simm.s32 $0x0;
	s15 =	simm.s32 $0x2  }
0x5: {  	s16 =	simm.s32 $0x4F00;
	s17 =	simm.s32 $0x80;
	s12 =	smul.u32 $0x9E0, s0  }
0x6: {  	s5 =	sand.u32 $0x1, s1;
	s7 =	smul.u32 $0x278, s0;
	s1 =	rddreg [dreg:$0x3]  }
0x7: {  	s19 =	simm.s32 $0x1;
	[smem:$0x7FF] =	sst s3;
	s8 =	smul.u32 $0x27800, s0  }
0x8: {  	s4 =	sadd.s32 $0xB3400, s6;
	s20 =	sshll.u32 s0, $0x6;
	s18 =	smul.u32 $0x2780, s5  }
0x9: {  	_ =	strace $0x8000004A;
	s9 =	ssub.s32 $0x2, s5;
	s20 =	sor.u32 $0x1C02, s20  }
0xa: {  	s10 =	sadd.s32 s12, s6;
	s30 =	sshrl.u32 s8, $0x2;
	s31 =	sshrl.u32 s9, $0x1  }
0xb: {  	s11 =	sadd.s32 s11, s12;
	s7 =	sadd.s32 s7, s18;
	s5 =	sadd.s32 s30, s2  }
0xc: {  	s14 =	ssub.s32 s9, s31;
	s10 =	sadd.s32 $0xB600, s10;
	v0 =	vmov s18;
	s18 =	simm.s32 $0x9E00  }
0xd: {  	s7 =	sshll.u32 s7, $0x3;
	s8 =	sadd.s32 $0x6000, s5;
	s9 =	sadd.s32 $0x8000, s5  }
0xe: {  	s13 =	sadd.s32 s7, s6;
	s6 =	sadd.s32 $0x2000, s5;
	s7 =	sadd.s32 $0x4000, s5  }
0xf: {  	v1 =	vimm.f32 $0.0e+00;
	s12 =	sadd.s32 $0xDAC00, s13;
	s13 =	smax.u32 s14, $0x1;
	s14 =	simm.s32 $0xBE00  }
.LBB2_1:
0x10: {  	s22 =	simm.s32 $0x100;
	s21 =	simm.s32 $0x0  }
.LBB2_2:
0x11: {  	p0 =	sne.s32 s22, $0x7F00;
	[tilespmem:s21+$0xBE30] =	vst v1;
	s23 =	smov.u32 s22;
	s22 =	sadd.s32 $0x100, s22  }
.Ltmp0:
0x12: {  	[tilespmem:s21+$0xBE20] =	vst v1;
	(pc) =	sbr.rel @p0 .LBB2_2-.Ltmp0, $3  }
0x13: {  	[tilespmem:s21+$0xBE00] =	vst v1  }
0x14: {  	[tilespmem:s21+$0xBE10] =	vst v1;
	_ =	sdelay $0x1  }
0x15: {  	s21 =	sshra.s32 s23, $0x2  }
0x16: {  	[tilespmem:s21+$0xBE30] =	vst v1  }
0x17: {  	[tilespmem:s21+$0xBE20] =	vst v1  }
0x18: {  	[tilespmem:s21+$0xBE00] =	vst v1  }
0x19: {  	[tilespmem:s21+$0xBE10] =	vst v1  }
0x1a: {  	[spmem:s5] =	stream.linear.scatter [tilespmem:s14], [sflag:$0x2], $0x2000, $0x38;
	[tilespmem:$0x17C00] =	vst v63  }
0x1b: {  	_ =	swait.ge [sflag:s15], $0x2000  }
0x1c: {  	[sflag:s15] =	ssyncset.done $0x0  }
0x1d: {  	[sflag:s15] =	ssyncadd.s32 $0xFFFFE000  }
0x1e: {  	[spmem:s6] =	stream.linear.scatter [tilespmem:s14], [sflag:$0x2], $0x2000, $0x38;
	[tilespmem:$0x17C00] =	vst v63  }
0x1f: {  	_ =	swait.ge [sflag:s15], $0x2000  }
0x20: {  	[sflag:s15] =	ssyncset.done $0x0  }
0x21: {  	[sflag:s15] =	ssyncadd.s32 $0xFFFFE000  }
0x22: {  	[spmem:s7] =	stream.linear.scatter [tilespmem:s14], [sflag:$0x2], $0x2000, $0x38;
	[tilespmem:$0x17C00] =	vst v63  }
0x23: {  	_ =	swait.ge [sflag:s15], $0x2000  }
0x24: {  	[sflag:s15] =	ssyncset.done $0x0  }
0x25: {  	[sflag:s15] =	ssyncadd.s32 $0xFFFFE000  }
0x26: {  	[spmem:s8] =	stream.linear.scatter [tilespmem:s14], [sflag:$0x2], $0x2000, $0x38;
	[tilespmem:$0x17C00] =	vst v63  }
0x27: {  	_ =	swait.ge [sflag:s15], $0x2000  }
0x28: {  	[sflag:s15] =	ssyncset.done $0x0  }
0x29: {  	[sflag:s15] =	ssyncadd.s32 $0xFFFFE000  }
0x2a: {  	[spmem:s9] =	stream.linear.scatter [tilespmem:s14], [sflag:$0x2], $0x1E00, $0x38;
	[tilespmem:$0x17C00] =	vst v63  }
0x2b: {  	_ =	swait.ge [sflag:s15], $0x1E00  }
0x2c: {  	[sflag:s15] =	ssyncset.done $0x0  }
0x2d: {  	s31 =	simm.s32 $0x0;
	[sflag:s15] =	ssyncadd.s32 $0xFFFFE200  }
0x2e: {  	[tilespmem:s31], [sflag:$0x2] =	stream.linear.gather [hbm4b:s10+s31], $0x4F00, $0x38;
	[tilespmem:$0x17C00] =	vst v63  }
0x2f: {  	_ =	swait.ge [sflag:s15], $0x4F00  }
0x30: {  	[sflag:s15] =	ssyncset.done $0x0  }
0x31: {  	[sflag:s15] =	ssyncadd.s32 $0xFFFFB100  }
0x32: {  	[tilespmem:s16], [sflag:$0x2] =	stream.linear.gather [hbm4b:s11+s31], $0x4F00, $0x38;
	[tilespmem:$0x17C00] =	vst v63  }
0x33: {  	_ =	swait.ge [sflag:s15], $0x4F00  }
0x34: {  	[sflag:s15] =	ssyncset.done $0x0  }
0x35: {  	s21 =	simm.s32 $0x0;
	s22 =	simm.s32 $0x40;
	[sflag:s15] =	ssyncadd.s32 $0xFFFFB100  }
.LBB2_4:
0x36: {  	p0 =	sne.s32 s22, $0x13BC0;
	v2 =	vld [tilespmem:s21+$0x0];
	_ =	sdelay $0x1  }
.Ltmp1:
0x37: {  	(pc) =	sbr.rel @p0 .LBB2_4-.Ltmp1, $3  }
0x38: {  	_ =	sdelay $0x1  }
0x39: {  	v2 =	vadd.s32 v0, v2  }
0x3a: {  	[tilespmem:s21+$0x0] =	vst v2;
	s21 =	sshra.s32 s22, $0x2;
	s22 =	sadd.s32 $0x40, s22  }
0x3b: {  	v2 =	vld [tilespmem:s21+$0x0];
	_ =	sdelay $0x4  }
0x3c: {  	v2 =	vadd.s32 v0, v2  }
0x3d: {  	[tilespmem:s21+$0x0] =	vst v2  }
0x3e: {  	s30 =	simm.s32 $0x0;
	[bflag:$0x0] =	sbarrier.arrive $0xFFFF  }
0x3f: {  	[tilespmem:s18], [sflag:$0x1] =	stream.indirect.gather [hbm4b:s4+s17], $0x40, s30, s17, $0xb8;
	[tilespmem:$0x17C00] =	vst v63  }
0x40: {  	_ =	swait.ge [sflag:s19], $0x2000  }
0x41: {  	[sflag:s19] =	ssyncset.done $0x0  }
0x42: {  	s31 =	simm.s32 $0x4F00;
	[sflag:s19] =	ssyncadd.s32 $0xFFFFE000  }
0x43: {  	[spmem:s2] =	stream.indirect.scatter.add.f32 [tilespmem:s18], [sflag:$0x2], $0x40, s31, s17, $0xb8;
	[tilespmem:$0x17C00] =	vst v63  }
0x44: {  	_ =	swait.ge [sflag:s15], $0x2000  }
0x45: {  	s22 =	simm.s32 $0x400;
	s21 =	simm.s32 $0x200;
	[sflag:s15] =	ssyncset.done $0x0  }
.LBB2_6:
0x46: {  	s23 =	sshra.s32 s21, $0x2  }
0x47: {  	[sflag:s15] =	ssyncadd.s32 $0xFFFFE000;
	s21 =	smov.u32 s22;
	s24 =	sadd.s32 $0x200, s22  }
0x48: {  	[tilespmem:s18], [sflag:$0x1] =	stream.indirect.gather [hbm4b:s4+s17], $0x40, s23, s17, $0xb8;
	[tilespmem:$0x17C00] =	vst v63  }
0x49: {  	p0 =	sne.s32 s22, $0x13A00;
	_ =	swait.ge [sflag:s19], $0x2000  }
.Ltmp2:
0x4a: {  	[sflag:s19] =	ssyncset.done $0x0;
	(pc) =	sbr.rel @p0 .LBB2_6-.Ltmp2, $4  }
0x4b: {  	s22 =	sadd.s32 $0x4F00, s23;
	[sflag:s19] =	ssyncadd.s32 $0xFFFFE000  }
0x4c: {  	[spmem:s2] =	stream.indirect.scatter.add.f32 [tilespmem:s18], [sflag:$0x2], $0x40, s22, s17, $0xb8;
	[tilespmem:$0x17C00] =	vst v63  }
0x4d: {  	_ =	swait.ge [sflag:s15], $0x2000  }
0x4e: {  	s22 =	smov.u32 s24;
	[sflag:s15] =	ssyncset.done $0x0  }
0x4f: {  	s21 =	sshra.s32 s21, $0x2;
	[sflag:s15] =	ssyncadd.s32 $0xFFFFE000  }
0x50: {  	[tilespmem:s18], [sflag:$0x1] =	stream.indirect.gather [hbm4b:s4+s17], $0x40, s21, s17, $0xb8;
	[tilespmem:$0x17C00] =	vst v63  }
0x51: {  	_ =	swait.ge [sflag:s19], $0x2000  }
0x52: {  	[sflag:s19] =	ssyncset.done $0x0  }
0x53: {  	s21 =	sadd.s32 $0x4F00, s21;
	[sflag:s19] =	ssyncadd.s32 $0xFFFFE000  }
0x54: {  	[spmem:s2] =	stream.indirect.scatter.add.f32 [tilespmem:s18], [sflag:$0x2], $0x40, s21, s17, $0xb8;
	[tilespmem:$0x17C00] =	vst v63  }
0x55: {  	_ =	swait.ge [sflag:s15], $0x2000  }
0x56: {  	s3 =	sadd.s32 $0x1, s3;
	[sflag:s15] =	ssyncset.done $0x0  }
0x57: {  	p0 =	sne.s32 s3, s13;
	[sflag:s15] =	ssyncadd.s32 $0xFFFFE000  }
.Ltmp3:
0x58: {  	s31 =	sshrl.u32 s5, $0x3;
	[bflag:$0x0] =	sbarrier.arrive $0xFFFF;
	(pc) =	sbr.rel @p0 .LBB2_1-.Ltmp3, $4  }
0x59: {  	[hbm:s12], [sflag:s20] =	dma.local [spmem:s31], $0x13C0  }
0x5a: {  	_ =	swait.ge [sflag:s15], $0x13C0  }
0x5b: {  	[sflag:s15] =	ssyncset.done $0x0  }
0x5c: {  	[sflag:s15] =	ssyncadd.s32 $0xFFFFEC40  }
0x5d: {  	_ =	sfence.sel $0x180000  }
0x5e: {  	[bflag:$0x0] =	sbarrier.arrive $0xFFFF  }
0x5f: {  	p0 =	sne.s32 s0, $0x0;
	_ =	strace $0x9000004A  }
0x60: {  	s0 =	sadd.s32 @!p0 $0x100000, s1;
	[bflag:$0x2] =	sbarrier.arrive $0xFFFF  }
0x61: {  	[sflag:s0] =	ssyncadd.tile.s32 @!p0 $0x1;
	_ =	shalt  }
.Lfunc_end2:
_tile_overlayer_lowered:
.L_overlay_start_2:
0x62: {  	(tag) =	ssettag $0x2  }
0x63: {  	s0 =	rddreg [dreg:$0x0];
	s2 =	stileid.u32  }
0x64: {  	s1 =	rddreg [dreg:$0x1];
	p0 =	sne.s32 s2, $0x0  }
0x65: {  	s3 =	rddreg [dreg:$0x2];
	[bflag:$0x3] =	sbarrier.arrive $0xFFFF;
	s2 =	simm.s32 @!p0 $0x1C02  }
0x66: {  	[timem:s3], [sflag:s2] =	dma.local @!p0 [hbm:s0], s1  }
0x67: {  	s0 =	simm.s32 @!p0 $0x2  }
0x68: {  	_ =	swait.ge @!p0 [sflag:s0], s1  }
0x69: {  	s1 =	ssub.s32 @!p0 $0x0, s1;
	[sflag:s0] =	ssyncset.done @!p0 $0x0  }
0x6a: {  	[sflag:s0] =	ssyncadd.s32 @!p0 s1  }
0x6b: {  	[bflag:$0x3] =	sbarrier.arrive $0xFFFF  }
0x6c: {  	_ =	shalt  }

// kernel: kernel.14.cloned.1.call-start
scs
__scs_entry_jumppad:
0x0: {  	(pc) =	sbr.rel $0x88, $3  }
0x1: {  	(tag) =	ssettag $0x0;
	lr =	simm.s32 $0x1  }
0x2: {  	[smem:$0x3F9B] =	sst lr;
	_ =	strace $0xD0000000  }
0x3: {  	_ = 	snop  }
0x4: {  	_ = 	snop  }
0x5: {  	_ = 	snop  }
0x6: {  	_ = 	snop  }
0x7: {  	_ = 	snop  }
__scs_overlays_trampoline_lowered:
0x8: {  	[smem:$0x3FAA] =	sst s0  }
0x9: {  	[smem:$0x3FAB] =	sst s1  }
0xa: {  	[smem:$0x3FAC] =	sst s2  }
0xb: {  	[smem:$0x3FAD] =	sst s3  }
0xc: {  	[smem:$0x3FAE] =	sst s4  }
0xd: {  	[smem:$0x3FAF] =	sst s5  }
0xe: {  	[smem:$0x3FB0] =	sst s6  }
0xf: {  	[smem:$0x3FB1] =	sst s7  }
0x10: {  	[smem:$0x3FB2] =	sst s8  }
0x11: {  	[smem:$0x3FB3] =	sst s9;
	s0 =	simm.s32 @!p0 $0x0  }
0x12: {  	s1 =	sld [smem:$0x3F99];
	s0 =	simm.s32 @p0 $0x1  }
0x13: {  	[smem:$0x3FB4] =	sst s0;
	s0 =	simm.s32 @!p1 $0x0  }
0x14: {  	s2 =	sld [smem:$0x3F98];
	s0 =	simm.s32 @p1 $0x1  }
0x15: {  	[smem:$0x3FB5] =	sst s0;
	s0 =	simm.s32 @!p2 $0x0  }
0x16: {  	s3 =	sld [smem:$0x3FDB];
	s0 =	simm.s32 @p2 $0x1  }
0x17: {  	s4 =	simm.s32 $0x1BF5;
	[smem:$0x3FB7] =	sst s0  }
0x18: {  	s0 =	sld [smem:$0x3F9A];
	_ =	swait.ge [sflag:s4], $0x0  }
0x19: {  	s7 =	sld [smem:$0x3F9B]  }
0x1a: {  	s8 =	sadd.s32 $0xFFFFE003, lr  }
0x1b: {  	s9 =	sadd.s32 $0xFFFFFEF7, lr;
	s5 =	simm.s32 $0xFFFFFFFF;
	p2 =	slt.u32 s8, $0xFFFFF086  }
0x1c: {  	p1 =	slt.u32 s9, $0xF7A;
	s5 =	simm.s32 @!p2 $0x0  }
0x1d: {  	s5 =	simm.s32 @p1 $0x1;
	p0 =	seq.s32 s7, s2  }
0x1e: {  	s7 =	smul.u32 @!p0 $0xF7A, s2;
	p2 =	seq.s32 @!p0 s5, $0x0  }
0x1f: {  	s9 =	smul.u32 $0xF7A, s1;
	s8 =	simm.s32 @!p0 $0x1BF5;
	p2 =	por !p2, p0  }
0x20: {  	[sflag:s8] =	ssyncset.s32 @!p0 $0xFFFFF086;
	s6 =	sadd.s32 @!p0 s3, s7;
	s7 =	simm.s32 @!p0 $0x108  }
0x21: {  	s3 =	sadd.s32 s3, s9;
	s6 =	sadd.s32 @!p0 $0x88, s6;
	s7 =	simm.s32 @p2 $0x1082  }
0x22: {  	[simem:s7], [sflag:s8] =	dma.local @!p0 [hbm:s6], $0xF7A  }
0x23: {  	s9 =	sor.u32 $0xD0000000, s2;
	s6 =	simm.s32 $0x108;
	_ =	swait.ge @!p0 [sflag:s8], $0x0  }
0x24: {  	s3 =	sadd.s32 $0x88, s3;
	s6 =	simm.s32 @!p1 $0x1082;
	[sflag:s4] =	ssyncset.s32 $0xFFFFF086  }
0x25: {  	[simem:s6], [sflag:s4] =	dma.local [hbm:s3], $0xF7A  }
0x26: {  	[smem:$0x3F9B] =	sst s1;
	(tag) =	ssettag s2;
	_ =	strace s9  }
0x27: {  	s1 =	sld [smem:$0x3FAB]  }
0x28: {  	s2 =	sld [smem:$0x3FAC]  }
0x29: {  	s4 =	sld [smem:$0x3FAE]  }
0x2a: {  	p0 =	seq.s32 s5, $0x0;
	s5 =	sld [smem:$0x3FAF]  }
0x2b: {  	s6 =	sld [smem:$0x3FB0]  }
0x2c: {  	s7 =	sld [smem:$0x3FB1]  }
0x2d: {  	s3 =	simm.s32 $0x108;
	s8 =	sld [smem:$0x3FB2]  }
0x2e: {  	s3 =	simm.s32 @!p0 $0x1082;
	s9 =	sld [smem:$0x3FB3]  }
0x2f: {  	lr =	sadd.s32 s0, s3;
	s0 =	sld [smem:$0x3FAA]  }
0x30: {  	s3 =	sld [smem:$0x3FAD]  }
0x31: {  	[smem:$0x3FB6] =	sst s10  }
0x32: {  	s10 =	sld [smem:$0x3FB4];
	_ =	sdelay $0x3  }
0x33: {  	p0 =	seq.s32 s10, $0x1;
	s10 =	sld [smem:$0x3FB6];
	_ =	sdelay $0x3  }
0x34: {  	[smem:$0x3FB6] =	sst s10  }
0x35: {  	s10 =	sld [smem:$0x3FB5];
	_ =	sdelay $0x3  }
0x36: {  	p1 =	seq.s32 s10, $0x1;
	s10 =	sld [smem:$0x3FB6];
	_ =	sdelay $0x3  }
0x37: {  	[smem:$0x3FB6] =	sst s10  }
0x38: {  	s10 =	sld [smem:$0x3FB7]  }
0x39: {  	_ = 	snop;
	(pc) =	sbr.ind lr, $3  }
0x3a: {  	_ = 	snop  }
0x3b: {  	_ = 	snop  }
0x3c: {  	p2 =	seq.s32 s10, $0x1;
	s10 =	sld [smem:$0x3FB6]  }
0x3d: {  	_ =	shalt  }
0x3e: {  	_ =	shalt  }
0x3f: {  	_ =	shalt  }
0x40: {  	_ =	shalt  }
0x41: {  	_ =	shalt  }
0x42: {  	_ =	shalt  }
0x43: {  	_ =	shalt  }
0x44: {  	_ =	shalt  }
0x45: {  	_ =	shalt  }
0x46: {  	_ =	shalt  }
0x47: {  	_ =	shalt  }
0x48: {  	_ =	shalt  }
0x49: {  	_ =	shalt  }
0x4a: {  	_ =	shalt  }
0x4b: {  	_ =	shalt  }
0x4c: {  	_ =	shalt  }
0x4d: {  	_ =	shalt  }
0x4e: {  	_ =	shalt  }
0x4f: {  	_ =	shalt  }
0x50: {  	_ =	shalt  }
0x51: {  	_ =	shalt  }
0x52: {  	_ =	shalt  }
0x53: {  	_ =	shalt  }
0x54: {  	_ =	shalt  }
0x55: {  	_ =	shalt  }
0x56: {  	_ =	shalt  }
0x57: {  	_ =	shalt  }
0x58: {  	_ =	shalt  }
0x59: {  	_ =	shalt  }
0x5a: {  	_ =	shalt  }
0x5b: {  	_ =	shalt  }
0x5c: {  	_ =	shalt  }
0x5d: {  	_ =	shalt  }
0x5e: {  	_ =	shalt  }
0x5f: {  	_ =	shalt  }
0x60: {  	_ =	shalt  }
0x61: {  	_ =	shalt  }
0x62: {  	_ =	shalt  }
0x63: {  	_ =	shalt  }
0x64: {  	_ =	shalt  }
0x65: {  	_ =	shalt  }
0x66: {  	_ =	shalt  }
0x67: {  	_ =	shalt  }
0x68: {  	_ =	shalt  }
0x69: {  	_ =	shalt  }
0x6a: {  	_ =	shalt  }
0x6b: {  	_ =	shalt  }
0x6c: {  	_ =	shalt  }
0x6d: {  	_ =	shalt  }
0x6e: {  	_ =	shalt  }
0x6f: {  	_ =	shalt  }
0x70: {  	_ =	shalt  }
0x71: {  	_ =	shalt  }
0x72: {  	_ =	shalt  }
0x73: {  	_ =	shalt  }
0x74: {  	_ =	shalt  }
0x75: {  	_ =	shalt  }
0x76: {  	_ =	shalt  }
0x77: {  	_ =	shalt  }
0x78: {  	_ =	shalt  }
0x79: {  	_ =	shalt  }
0x7a: {  	_ =	shalt  }
0x7b: {  	_ =	shalt  }
0x7c: {  	_ =	shalt  }
0x7d: {  	_ =	shalt  }
0x7e: {  	_ =	shalt  }
0x7f: {  	_ =	shalt  }
0x80: {  	_ =	shalt  }
0x81: {  	_ =	shalt  }
0x82: {  	_ =	shalt  }
0x83: {  	_ =	shalt  }
0x84: {  	_ =	shalt  }
0x85: {  	_ =	shalt  }
0x86: {  	_ =	shalt  }
0x87: {  	_ =	shalt  }
.Lfunc_end0:
.L_simem_size_0:
called_computation.2_lowered:
.L_overlay_start_0:
0x88: {  	s2 =	sld [smem:$0x3FD9]  }
0x89: {  	s3 =	sld [smem:$0x3FFE];
	_ =	sdelay $0x1  }
0x8a: {  	s1 =	srdreg.scid  }
0x8b: {  	s0 =	sand.u32 $0x1, s1  }
0x8c: {  	s17 =	sshll.u32 s0, $0xA;
	s2 =	sadd.s32 s3, s2  }
0x8d: {  	s2 =	sadd.s32 s2, s17  }
0x8e: {  	[smem:$0x3FC2] =	sst s2  }
0x8f: {  	_ = 	snop  }
0x90: {  	s2 =	sld [smem:$0x3FD0];
	(tm) =	ssettm $0x1  }
0x91: {  	s18 =	sld [smem:$0x3FFB];
	_ =	sdelay $0x3  }
0x92: {  	_ =	strace s18  }
0x93: {  	s3 =	sld [smem:$0x3FFC];
	_ =	sdelay $0x3  }
0x94: {  	_ =	strace s3  }
0x95: {  	s3 =	sld [smem:$0x3FFD];
	_ =	sdelay $0x3  }
0x96: {  	_ =	strace s3  }
0x97: {  	_ =	strace $0x8FFFFFFF  }
0x98: {  	s19 =	sld [smem:$0x3FDB];
	_ =	sdelay $0x1  }
0x99: {  	s4 =	simm.s32 $_scs_section_size  }
0x9a: {  	s5 =	simm.s32 $_size__tile_overlayer_lowered;
	s6 =	simm.s32 $_tile_overlayer_lowered  }
0x9b: {  	s22 =	simm.s32 $0x1BFF;
	s21 =	sshll.u32 s6, $0x1;
	s3 =	sadd.s32 s4, s19  }
0x9c: {  	s7 =	simm.s32 $0x0;
	s20 =	sshll.u32 s5, $0x1;
	s5 =	sadd.s32 s21, s3  }
0x9d: {  	[timem:s7], [sflag:s22] =	dma.local [hbm:s5], s20  }
0x9e: {  	_ =	swait.ge [sflag:s22], s20  }
0x9f: {  	s4 =	ssub.s32 $0x0, s20;
	[sflag:s22] =	ssyncset.done $0x0  }
0xa0: {  	[sflag:s22] =	ssyncadd.s32 s4;
	_ =	sdelay $0x1  }
0xa1: {  	s23 =	simm.s32 $0x1B8B  }
0xa2: {  	_ =	swait.ge [sflag:s23], $0x1  }
0xa3: {  	[sflag:s23] =	ssyncset.done $0x0  }
0xa4: {  	s25 =	simm.s32 $0x1B8E;
	s24 =	sld [smem:$0x3FFE];
	[sflag:s23] =	ssyncadd.s32 $0xFFFFFFFF  }
0xa5: {  	s26 =	simm.s32 $execute0_lowered;
	[smem:$0x3FD2] =	sst s25  }
0xa6: {  	s5 =	sshll.u32 s26, $0x1;
	_ =	strace $0x8000004C;
	[dreg:$0x1] =	wrdreg $0xFFFFFFFF  }
0xa7: {  	s28 =	simm.s32 $_size_execute0_lowered;
	s3 =	sadd.s32 s3, s5;
	[dreg:$0x0] =	wrdreg $0x0  }
0xa8: {  	s5 =	sshll.u32 s28, $0x1;
	[dreg:$0x2] =	wrdreg s3  }
0xa9: {  	[dreg:$0x3] =	wrdreg s5  }
0xaa: {  	[dreg:$0x4] =	wrdreg $0xC0  }
0xab: {  	_ =	task [dreg:s7], $0x5FFFF  }
0xac: {  	[dreg:$0x1] =	wrdreg $0xFFFFFFFF  }
0xad: {  	[dreg:$0x0] =	wrdreg $0x60  }
0xae: {  	[dreg:$0x2] =	wrdreg s24  }
0xaf: {  	[dreg:$0x3] =	wrdreg s2  }
0xb0: {  	[dreg:$0x4] =	wrdreg $0xDE000  }
0xb1: {  	[dreg:$0x5] =	wrdreg $0x9  }
0xb2: {  	_ =	task.clear_ibuf [dreg:s7], $0x6FFFF;
	_ =	strace $0x9000004C  }
0xb3: {  	s29 =	simm.s32 $0x9;
	_ =	strace $0x8000004E  }
0xb4: {  	_ =	swait.ge [sflag:s29], $0x1  }
0xb5: {  	[sflag:s29] =	ssyncadd.s32 $0xFFFFFFFF  }
0xb6: {  	_ =	strace $0x9000004E  }
0xb7: {  	_ =	sfence  }
0xb8: {  	s30 =	sld [smem:$0x0];
	_ =	sdelay $0x2  }
0xb9: {  	s31 =	sshll.u32 s1, $0xD;
	s1 =	sshrl.u32 s1, $0x2  }
0xba: {  	s3 =	sand.u32 $0x4000, s31;
	s1 =	sadd.s32 s1, s30  }
0xbb: {  	s0 =	sor.u32 s3, s0;
	s1 =	sshll.u32 s1, $0x11  }
0xbc: {  	s0 =	sor.u32 s1, s0  }
0xbd: {  	s0 =	sadd.s32 $0x8F2B, s0  }
0xbe: {  	[sflag:s0] =	ssyncadd.remote.s32 $0x1  }
0xbf: {  	_ =	sfence.sel $0xFFFF  }
0xc0: {  	[dreg:$0x0] =	wrdreg $0xFFFFFFFF;
	(pc) =	sbr.abs _section_cstart, $3  }
0xc1: {  	[dreg:$0x1] =	wrdreg $0xFFFFFFFF  }
0xc2: {  	_ =	task.clear_ibuf [dreg:s7], $0x2FFFF;
	_ =	strace $0x9FFFFFFF  }
0xc3: {  	(tm) =	ssettm $0x7FFFFFFF  }
tec
execute0_lowered:
.L_overlay_start_1:
0x0: {  	(tag) =	ssettag $0x1  }
0x1: {  	s6 =	rddreg [dreg:$0x0]  }
0x2: {  	s11 =	rddreg [dreg:$0x1]  }
0x3: {  	s0 =	stileid.u32;
	s1 =	srdreg.scid  }
0x4: {  	s2 =	rddreg [dreg:$0x2];
	s3 =	simm.s32 $0x0;
	s15 =	simm.s32 $0x2  }
0x5: {  	s16 =	simm.s32 $0x4F00;
	s17 =	simm.s32 $0x80;
	s12 =	smul.u32 $0x9E0, s0  }
0x6: {  	s5 =	sand.u32 $0x1, s1;
	s7 =	smul.u32 $0x278, s0;
	s1 =	rddreg [dreg:$0x3]  }
0x7: {  	s19 =	simm.s32 $0x1;
	[smem:$0x7FF] =	sst s3;
	s8 =	smul.u32 $0x27800, s0  }
0x8: {  	s4 =	sadd.s32 $0xB3400, s6;
	s20 =	sshll.u32 s0, $0x6;
	s18 =	smul.u32 $0x2780, s5  }
0x9: {  	_ =	strace $0x8000004D;
	s9 =	ssub.s32 $0x2, s5;
	s20 =	sor.u32 $0x1C02, s20  }
0xa: {  	s10 =	sadd.s32 s12, s6;
	s30 =	sshrl.u32 s8, $0x2;
	s31 =	sshrl.u32 s9, $0x1  }
0xb: {  	s11 =	sadd.s32 s11, s12;
	s7 =	sadd.s32 s7, s18;
	s5 =	sadd.s32 s30, s2  }
0xc: {  	s14 =	ssub.s32 s9, s31;
	s10 =	sadd.s32 $0xB600, s10;
	v0 =	vmov s18;
	s18 =	simm.s32 $0x9E00  }
0xd: {  	s7 =	sshll.u32 s7, $0x3;
	s8 =	sadd.s32 $0x6000, s5;
	s9 =	sadd.s32 $0x8000, s5  }
0xe: {  	s13 =	sadd.s32 s7, s6;
	s6 =	sadd.s32 $0x2000, s5;
	s7 =	sadd.s32 $0x4000, s5  }
0xf: {  	v1 =	vimm.f32 $0.0e+00;
	s12 =	sadd.s32 $0xDAC00, s13;
	s13 =	smax.u32 s14, $0x1;
	s14 =	simm.s32 $0xBE00  }
.LBB2_1:
0x10: {  	s22 =	simm.s32 $0x100;
	s21 =	simm.s32 $0x0  }
.LBB2_2:
0x11: {  	p0 =	sne.s32 s22, $0x7F00;
	[tilespmem:s21+$0xBE30] =	vst v1;
	s23 =	smov.u32 s22;
	s22 =	sadd.s32 $0x100, s22  }
.Ltmp0:
0x12: {  	[tilespmem:s21+$0xBE20] =	vst v1;
	(pc) =	sbr.rel @p0 .LBB2_2-.Ltmp0, $3  }
0x13: {  	[tilespmem:s21+$0xBE00] =	vst v1  }
0x14: {  	[tilespmem:s21+$0xBE10] =	vst v1;
	_ =	sdelay $0x1  }
0x15: {  	s21 =	sshra.s32 s23, $0x2  }
0x16: {  	[tilespmem:s21+$0xBE30] =	vst v1  }
0x17: {  	[tilespmem:s21+$0xBE20] =	vst v1  }
0x18: {  	[tilespmem:s21+$0xBE00] =	vst v1  }
0x19: {  	[tilespmem:s21+$0xBE10] =	vst v1  }
0x1a: {  	[spmem:s5] =	stream.linear.scatter [tilespmem:s14], [sflag:$0x2], $0x2000, $0x38;
	[tilespmem:$0x17C00] =	vst v63  }
0x1b: {  	_ =	swait.ge [sflag:s15], $0x2000  }
0x1c: {  	[sflag:s15] =	ssyncset.done $0x0  }
0x1d: {  	[sflag:s15] =	ssyncadd.s32 $0xFFFFE000  }
0x1e: {  	[spmem:s6] =	stream.linear.scatter [tilespmem:s14], [sflag:$0x2], $0x2000, $0x38;
	[tilespmem:$0x17C00] =	vst v63  }
0x1f: {  	_ =	swait.ge [sflag:s15], $0x2000  }
0x20: {  	[sflag:s15] =	ssyncset.done $0x0  }
0x21: {  	[sflag:s15] =	ssyncadd.s32 $0xFFFFE000  }
0x22: {  	[spmem:s7] =	stream.linear.scatter [tilespmem:s14], [sflag:$0x2], $0x2000, $0x38;
	[tilespmem:$0x17C00] =	vst v63  }
0x23: {  	_ =	swait.ge [sflag:s15], $0x2000  }
0x24: {  	[sflag:s15] =	ssyncset.done $0x0  }
0x25: {  	[sflag:s15] =	ssyncadd.s32 $0xFFFFE000  }
0x26: {  	[spmem:s8] =	stream.linear.scatter [tilespmem:s14], [sflag:$0x2], $0x2000, $0x38;
	[tilespmem:$0x17C00] =	vst v63  }
0x27: {  	_ =	swait.ge [sflag:s15], $0x2000  }
0x28: {  	[sflag:s15] =	ssyncset.done $0x0  }
0x29: {  	[sflag:s15] =	ssyncadd.s32 $0xFFFFE000  }
0x2a: {  	[spmem:s9] =	stream.linear.scatter [tilespmem:s14], [sflag:$0x2], $0x1E00, $0x38;
	[tilespmem:$0x17C00] =	vst v63  }
0x2b: {  	_ =	swait.ge [sflag:s15], $0x1E00  }
0x2c: {  	[sflag:s15] =	ssyncset.done $0x0  }
0x2d: {  	s31 =	simm.s32 $0x0;
	[sflag:s15] =	ssyncadd.s32 $0xFFFFE200  }
0x2e: {  	[tilespmem:s31], [sflag:$0x2] =	stream.linear.gather [hbm4b:s10+s31], $0x4F00, $0x38;
	[tilespmem:$0x17C00] =	vst v63  }
0x2f: {  	_ =	swait.ge [sflag:s15], $0x4F00  }
0x30: {  	[sflag:s15] =	ssyncset.done $0x0  }
0x31: {  	[sflag:s15] =	ssyncadd.s32 $0xFFFFB100  }
0x32: {  	[tilespmem:s16], [sflag:$0x2] =	stream.linear.gather [hbm4b:s11+s31], $0x4F00, $0x38;
	[tilespmem:$0x17C00] =	vst v63  }
0x33: {  	_ =	swait.ge [sflag:s15], $0x4F00  }
0x34: {  	[sflag:s15] =	ssyncset.done $0x0  }
0x35: {  	s21 =	simm.s32 $0x0;
	s22 =	simm.s32 $0x40;
	[sflag:s15] =	ssyncadd.s32 $0xFFFFB100  }
.LBB2_4:
0x36: {  	p0 =	sne.s32 s22, $0x13BC0;
	v2 =	vld [tilespmem:s21+$0x0];
	_ =	sdelay $0x1  }
.Ltmp1:
0x37: {  	(pc) =	sbr.rel @p0 .LBB2_4-.Ltmp1, $3  }
0x38: {  	_ =	sdelay $0x1  }
0x39: {  	v2 =	vadd.s32 v0, v2  }
0x3a: {  	[tilespmem:s21+$0x0] =	vst v2;
	s21 =	sshra.s32 s22, $0x2;
	s22 =	sadd.s32 $0x40, s22  }
0x3b: {  	v2 =	vld [tilespmem:s21+$0x0];
	_ =	sdelay $0x4  }
0x3c: {  	v2 =	vadd.s32 v0, v2  }
0x3d: {  	[tilespmem:s21+$0x0] =	vst v2  }
0x3e: {  	s30 =	simm.s32 $0x0;
	[bflag:$0x0] =	sbarrier.arrive $0xFFFF  }
0x3f: {  	[tilespmem:s18], [sflag:$0x1] =	stream.indirect.gather [hbm4b:s4+s17], $0x40, s30, s17, $0xb8;
	[tilespmem:$0x17C00] =	vst v63  }
0x40: {  	_ =	swait.ge [sflag:s19], $0x2000  }
0x41: {  	[sflag:s19] =	ssyncset.done $0x0  }
0x42: {  	s31 =	simm.s32 $0x4F00;
	[sflag:s19] =	ssyncadd.s32 $0xFFFFE000  }
0x43: {  	[spmem:s2] =	stream.indirect.scatter.add.f32 [tilespmem:s18], [sflag:$0x2], $0x40, s31, s17, $0xb8;
	[tilespmem:$0x17C00] =	vst v63  }
0x44: {  	_ =	swait.ge [sflag:s15], $0x2000  }
0x45: {  	s22 =	simm.s32 $0x400;
	s21 =	simm.s32 $0x200;
	[sflag:s15] =	ssyncset.done $0x0  }
.LBB2_6:
0x46: {  	s23 =	sshra.s32 s21, $0x2  }
0x47: {  	[sflag:s15] =	ssyncadd.s32 $0xFFFFE000;
	s21 =	smov.u32 s22;
	s24 =	sadd.s32 $0x200, s22  }
0x48: {  	[tilespmem:s18], [sflag:$0x1] =	stream.indirect.gather [hbm4b:s4+s17], $0x40, s23, s17, $0xb8;
	[tilespmem:$0x17C00] =	vst v63  }
0x49: {  	p0 =	sne.s32 s22, $0x13A00;
	_ =	swait.ge [sflag:s19], $0x2000  }
.Ltmp2:
0x4a: {  	[sflag:s19] =	ssyncset.done $0x0;
	(pc) =	sbr.rel @p0 .LBB2_6-.Ltmp2, $4  }
0x4b: {  	s22 =	sadd.s32 $0x4F00, s23;
	[sflag:s19] =	ssyncadd.s32 $0xFFFFE000  }
0x4c: {  	[spmem:s2] =	stream.indirect.scatter.add.f32 [tilespmem:s18], [sflag:$0x2], $0x40, s22, s17, $0xb8;
	[tilespmem:$0x17C00] =	vst v63  }
0x4d: {  	_ =	swait.ge [sflag:s15], $0x2000  }
0x4e: {  	s22 =	smov.u32 s24;
	[sflag:s15] =	ssyncset.done $0x0  }
0x4f: {  	s21 =	sshra.s32 s21, $0x2;
	[sflag:s15] =	ssyncadd.s32 $0xFFFFE000  }
0x50: {  	[tilespmem:s18], [sflag:$0x1] =	stream.indirect.gather [hbm4b:s4+s17], $0x40, s21, s17, $0xb8;
	[tilespmem:$0x17C00] =	vst v63  }
0x51: {  	_ =	swait.ge [sflag:s19], $0x2000  }
0x52: {  	[sflag:s19] =	ssyncset.done $0x0  }
0x53: {  	s21 =	sadd.s32 $0x4F00, s21;
	[sflag:s19] =	ssyncadd.s32 $0xFFFFE000  }
0x54: {  	[spmem:s2] =	stream.indirect.scatter.add.f32 [tilespmem:s18], [sflag:$0x2], $0x40, s21, s17, $0xb8;
	[tilespmem:$0x17C00] =	vst v63  }
0x55: {  	_ =	swait.ge [sflag:s15], $0x2000  }
0x56: {  	s3 =	sadd.s32 $0x1, s3;
	[sflag:s15] =	ssyncset.done $0x0  }
0x57: {  	p0 =	sne.s32 s3, s13;
	[sflag:s15] =	ssyncadd.s32 $0xFFFFE000  }
.Ltmp3:
0x58: {  	s31 =	sshrl.u32 s5, $0x3;
	[bflag:$0x0] =	sbarrier.arrive $0xFFFF;
	(pc) =	sbr.rel @p0 .LBB2_1-.Ltmp3, $4  }
0x59: {  	[hbm:s12], [sflag:s20] =	dma.local [spmem:s31], $0x13C0  }
0x5a: {  	_ =	swait.ge [sflag:s15], $0x13C0  }
0x5b: {  	[sflag:s15] =	ssyncset.done $0x0  }
0x5c: {  	[sflag:s15] =	ssyncadd.s32 $0xFFFFEC40  }
0x5d: {  	_ =	sfence.sel $0x180000  }
0x5e: {  	[bflag:$0x0] =	sbarrier.arrive $0xFFFF  }
0x5f: {  	p0 =	sne.s32 s0, $0x0;
	_ =	strace $0x9000004D  }
0x60: {  	s0 =	sadd.s32 @!p0 $0x100000, s1;
	[bflag:$0x2] =	sbarrier.arrive $0xFFFF  }
0x61: {  	[sflag:s0] =	ssyncadd.tile.s32 @!p0 $0x1;
	_ =	shalt  }
.Lfunc_end2:
_tile_overlayer_lowered:
.L_overlay_start_2:
0x62: {  	(tag) =	ssettag $0x2  }
0x63: {  	s0 =	rddreg [dreg:$0x0];
	s2 =	stileid.u32  }
0x64: {  	s1 =	rddreg [dreg:$0x1];
	p0 =	sne.s32 s2, $0x0  }
0x65: {  	s3 =	rddreg [dreg:$0x2];
	[bflag:$0x3] =	sbarrier.arrive $0xFFFF;
	s2 =	simm.s32 @!p0 $0x1C02  }
0x66: {  	[timem:s3], [sflag:s2] =	dma.local @!p0 [hbm:s0], s1  }
0x67: {  	s0 =	simm.s32 @!p0 $0x2  }
0x68: {  	_ =	swait.ge @!p0 [sflag:s0], s1  }
0x69: {  	s1 =	ssub.s32 @!p0 $0x0, s1;
	[sflag:s0] =	ssyncset.done @!p0 $0x0  }
0x6a: {  	[sflag:s0] =	ssyncadd.s32 @!p0 s1  }
0x6b: {  	[bflag:$0x3] =	sbarrier.arrive $0xFFFF  }
0x6c: {  	_ =	shalt  }

// kernel: kernel.8.cloned.1.call-start
scs
__scs_entry_jumppad:
0x0: {  	(pc) =	sbr.rel $0x88, $3  }
0x1: {  	(tag) =	ssettag $0x0;
	lr =	simm.s32 $0x1  }
0x2: {  	[smem:$0x3F9B] =	sst lr;
	_ =	strace $0xD0000000  }
0x3: {  	_ = 	snop  }
0x4: {  	_ = 	snop  }
0x5: {  	_ = 	snop  }
0x6: {  	_ = 	snop  }
0x7: {  	_ = 	snop  }
__scs_overlays_trampoline_lowered:
0x8: {  	[smem:$0x3FAA] =	sst s0  }
0x9: {  	[smem:$0x3FAB] =	sst s1  }
0xa: {  	[smem:$0x3FAC] =	sst s2  }
0xb: {  	[smem:$0x3FAD] =	sst s3  }
0xc: {  	[smem:$0x3FAE] =	sst s4  }
0xd: {  	[smem:$0x3FAF] =	sst s5  }
0xe: {  	[smem:$0x3FB0] =	sst s6  }
0xf: {  	[smem:$0x3FB1] =	sst s7  }
0x10: {  	[smem:$0x3FB2] =	sst s8  }
0x11: {  	[smem:$0x3FB3] =	sst s9;
	s0 =	simm.s32 @!p0 $0x0  }
0x12: {  	s1 =	sld [smem:$0x3F99];
	s0 =	simm.s32 @p0 $0x1  }
0x13: {  	[smem:$0x3FB4] =	sst s0;
	s0 =	simm.s32 @!p1 $0x0  }
0x14: {  	s2 =	sld [smem:$0x3F98];
	s0 =	simm.s32 @p1 $0x1  }
0x15: {  	[smem:$0x3FB5] =	sst s0;
	s0 =	simm.s32 @!p2 $0x0  }
0x16: {  	s3 =	sld [smem:$0x3FDB];
	s0 =	simm.s32 @p2 $0x1  }
0x17: {  	s4 =	simm.s32 $0x1BF5;
	[smem:$0x3FB7] =	sst s0  }
0x18: {  	s0 =	sld [smem:$0x3F9A];
	_ =	swait.ge [sflag:s4], $0x0  }
0x19: {  	s7 =	sld [smem:$0x3F9B]  }
0x1a: {  	s8 =	sadd.s32 $0xFFFFE003, lr  }
0x1b: {  	s9 =	sadd.s32 $0xFFFFFEF7, lr;
	s5 =	simm.s32 $0xFFFFFFFF;
	p2 =	slt.u32 s8, $0xFFFFF086  }
0x1c: {  	p1 =	slt.u32 s9, $0xF7A;
	s5 =	simm.s32 @!p2 $0x0  }
0x1d: {  	s5 =	simm.s32 @p1 $0x1;
	p0 =	seq.s32 s7, s2  }
0x1e: {  	s7 =	smul.u32 @!p0 $0xF7A, s2;
	p2 =	seq.s32 @!p0 s5, $0x0  }
0x1f: {  	s9 =	smul.u32 $0xF7A, s1;
	s8 =	simm.s32 @!p0 $0x1BF5;
	p2 =	por !p2, p0  }
0x20: {  	[sflag:s8] =	ssyncset.s32 @!p0 $0xFFFFF086;
	s6 =	sadd.s32 @!p0 s3, s7;
	s7 =	simm.s32 @!p0 $0x108  }
0x21: {  	s3 =	sadd.s32 s3, s9;
	s6 =	sadd.s32 @!p0 $0x88, s6;
	s7 =	simm.s32 @p2 $0x1082  }
0x22: {  	[simem:s7], [sflag:s8] =	dma.local @!p0 [hbm:s6], $0xF7A  }
0x23: {  	s9 =	sor.u32 $0xD0000000, s2;
	s6 =	simm.s32 $0x108;
	_ =	swait.ge @!p0 [sflag:s8], $0x0  }
0x24: {  	s3 =	sadd.s32 $0x88, s3;
	s6 =	simm.s32 @!p1 $0x1082;
	[sflag:s4] =	ssyncset.s32 $0xFFFFF086  }
0x25: {  	[simem:s6], [sflag:s4] =	dma.local [hbm:s3], $0xF7A  }
0x26: {  	[smem:$0x3F9B] =	sst s1;
	(tag) =	ssettag s2;
	_ =	strace s9  }
0x27: {  	s1 =	sld [smem:$0x3FAB]  }
0x28: {  	s2 =	sld [smem:$0x3FAC]  }
0x29: {  	s4 =	sld [smem:$0x3FAE]  }
0x2a: {  	p0 =	seq.s32 s5, $0x0;
	s5 =	sld [smem:$0x3FAF]  }
0x2b: {  	s6 =	sld [smem:$0x3FB0]  }
0x2c: {  	s7 =	sld [smem:$0x3FB1]  }
0x2d: {  	s3 =	simm.s32 $0x108;
	s8 =	sld [smem:$0x3FB2]  }
0x2e: {  	s3 =	simm.s32 @!p0 $0x1082;
	s9 =	sld [smem:$0x3FB3]  }
0x2f: {  	lr =	sadd.s32 s0, s3;
	s0 =	sld [smem:$0x3FAA]  }
0x30: {  	s3 =	sld [smem:$0x3FAD]  }
0x31: {  	[smem:$0x3FB6] =	sst s10  }
0x32: {  	s10 =	sld [smem:$0x3FB4];
	_ =	sdelay $0x3  }
0x33: {  	p0 =	seq.s32 s10, $0x1;
	s10 =	sld [smem:$0x3FB6];
	_ =	sdelay $0x3  }
0x34: {  	[smem:$0x3FB6] =	sst s10  }
0x35: {  	s10 =	sld [smem:$0x3FB5];
	_ =	sdelay $0x3  }
0x36: {  	p1 =	seq.s32 s10, $0x1;
	s10 =	sld [smem:$0x3FB6];
	_ =	sdelay $0x3  }
0x37: {  	[smem:$0x3FB6] =	sst s10  }
0x38: {  	s10 =	sld [smem:$0x3FB7]  }
0x39: {  	_ = 	snop;
	(pc) =	sbr.ind lr, $3  }
0x3a: {  	_ = 	snop  }
0x3b: {  	_ = 	snop  }
0x3c: {  	p2 =	seq.s32 s10, $0x1;
	s10 =	sld [smem:$0x3FB6]  }
0x3d: {  	_ =	shalt  }
0x3e: {  	_ =	shalt  }
0x3f: {  	_ =	shalt  }
0x40: {  	_ =	shalt  }
0x41: {  	_ =	shalt  }
0x42: {  	_ =	shalt  }
0x43: {  	_ =	shalt  }
0x44: {  	_ =	shalt  }
0x45: {  	_ =	shalt  }
0x46: {  	_ =	shalt  }
0x47: {  	_ =	shalt  }
0x48: {  	_ =	shalt  }
0x49: {  	_ =	shalt  }
0x4a: {  	_ =	shalt  }
0x4b: {  	_ =	shalt  }
0x4c: {  	_ =	shalt  }
0x4d: {  	_ =	shalt  }
0x4e: {  	_ =	shalt  }
0x4f: {  	_ =	shalt  }
0x50: {  	_ =	shalt  }
0x51: {  	_ =	shalt  }
0x52: {  	_ =	shalt  }
0x53: {  	_ =	shalt  }
0x54: {  	_ =	shalt  }
0x55: {  	_ =	shalt  }
0x56: {  	_ =	shalt  }
0x57: {  	_ =	shalt  }
0x58: {  	_ =	shalt  }
0x59: {  	_ =	shalt  }
0x5a: {  	_ =	shalt  }
0x5b: {  	_ =	shalt  }
0x5c: {  	_ =	shalt  }
0x5d: {  	_ =	shalt  }
0x5e: {  	_ =	shalt  }
0x5f: {  	_ =	shalt  }
0x60: {  	_ =	shalt  }
0x61: {  	_ =	shalt  }
0x62: {  	_ =	shalt  }
0x63: {  	_ =	shalt  }
0x64: {  	_ =	shalt  }
0x65: {  	_ =	shalt  }
0x66: {  	_ =	shalt  }
0x67: {  	_ =	shalt  }
0x68: {  	_ =	shalt  }
0x69: {  	_ =	shalt  }
0x6a: {  	_ =	shalt  }
0x6b: {  	_ =	shalt  }
0x6c: {  	_ =	shalt  }
0x6d: {  	_ =	shalt  }
0x6e: {  	_ =	shalt  }
0x6f: {  	_ =	shalt  }
0x70: {  	_ =	shalt  }
0x71: {  	_ =	shalt  }
0x72: {  	_ =	shalt  }
0x73: {  	_ =	shalt  }
0x74: {  	_ =	shalt  }
0x75: {  	_ =	shalt  }
0x76: {  	_ =	shalt  }
0x77: {  	_ =	shalt  }
0x78: {  	_ =	shalt  }
0x79: {  	_ =	shalt  }
0x7a: {  	_ =	shalt  }
0x7b: {  	_ =	shalt  }
0x7c: {  	_ =	shalt  }
0x7d: {  	_ =	shalt  }
0x7e: {  	_ =	shalt  }
0x7f: {  	_ =	shalt  }
0x80: {  	_ =	shalt  }
0x81: {  	_ =	shalt  }
0x82: {  	_ =	shalt  }
0x83: {  	_ =	shalt  }
0x84: {  	_ =	shalt  }
0x85: {  	_ =	shalt  }
0x86: {  	_ =	shalt  }
0x87: {  	_ =	shalt  }
.Lfunc_end0:
.L_simem_size_0:
called_computation_lowered:
.L_overlay_start_0:
0x88: {  	s2 =	sld [smem:$0x3FD9]  }
0x89: {  	s3 =	sld [smem:$0x3FFE];
	_ =	sdelay $0x1  }
0x8a: {  	s1 =	srdreg.scid  }
0x8b: {  	s0 =	sand.u32 $0x1, s1  }
0x8c: {  	s17 =	sshll.u32 s0, $0xA;
	s2 =	sadd.s32 s3, s2  }
0x8d: {  	s2 =	sadd.s32 s2, s17  }
0x8e: {  	[smem:$0x3FC2] =	sst s2  }
0x8f: {  	_ = 	snop  }
0x90: {  	s2 =	sld [smem:$0x3FD0];
	(tm) =	ssettm $0x1  }
0x91: {  	s18 =	sld [smem:$0x3FFB];
	_ =	sdelay $0x3  }
0x92: {  	_ =	strace s18  }
0x93: {  	s3 =	sld [smem:$0x3FFC];
	_ =	sdelay $0x3  }
0x94: {  	_ =	strace s3  }
0x95: {  	s3 =	sld [smem:$0x3FFD];
	_ =	sdelay $0x3  }
0x96: {  	_ =	strace s3  }
0x97: {  	_ =	strace $0x8FFFFFFF  }
0x98: {  	s19 =	sld [smem:$0x3FDB];
	_ =	sdelay $0x1  }
0x99: {  	s4 =	simm.s32 $_scs_section_size  }
0x9a: {  	s5 =	simm.s32 $_size__tile_overlayer_lowered;
	s6 =	simm.s32 $_tile_overlayer_lowered  }
0x9b: {  	s22 =	simm.s32 $0x1BFF;
	s21 =	sshll.u32 s6, $0x1;
	s3 =	sadd.s32 s4, s19  }
0x9c: {  	s7 =	simm.s32 $0x0;
	s20 =	sshll.u32 s5, $0x1;
	s5 =	sadd.s32 s21, s3  }
0x9d: {  	[timem:s7], [sflag:s22] =	dma.local [hbm:s5], s20  }
0x9e: {  	_ =	swait.ge [sflag:s22], s20  }
0x9f: {  	s4 =	ssub.s32 $0x0, s20;
	[sflag:s22] =	ssyncset.done $0x0  }
0xa0: {  	[sflag:s22] =	ssyncadd.s32 s4;
	_ =	sdelay $0x1  }
0xa1: {  	s23 =	simm.s32 $0x1B8B  }
0xa2: {  	_ =	swait.ge [sflag:s23], $0x1  }
0xa3: {  	[sflag:s23] =	ssyncset.done $0x0  }
0xa4: {  	s25 =	simm.s32 $0x1B8E;
	s24 =	sld [smem:$0x3FFE];
	[sflag:s23] =	ssyncadd.s32 $0xFFFFFFFF  }
0xa5: {  	s26 =	simm.s32 $execute0_lowered;
	[smem:$0x3FD2] =	sst s25  }
0xa6: {  	s5 =	sshll.u32 s26, $0x1;
	_ =	strace $0x80000046;
	[dreg:$0x1] =	wrdreg $0xFFFFFFFF  }
0xa7: {  	s28 =	simm.s32 $_size_execute0_lowered;
	s3 =	sadd.s32 s3, s5;
	[dreg:$0x0] =	wrdreg $0x0  }
0xa8: {  	s5 =	sshll.u32 s28, $0x1;
	[dreg:$0x2] =	wrdreg s3  }
0xa9: {  	[dreg:$0x3] =	wrdreg s5  }
0xaa: {  	[dreg:$0x4] =	wrdreg $0xC0  }
0xab: {  	_ =	task [dreg:s7], $0x5FFFF  }
0xac: {  	[dreg:$0x1] =	wrdreg $0xFFFFFFFF  }
0xad: {  	[dreg:$0x0] =	wrdreg $0x60  }
0xae: {  	[dreg:$0x2] =	wrdreg s2  }
0xaf: {  	[dreg:$0x3] =	wrdreg s24  }
0xb0: {  	[dreg:$0x4] =	wrdreg $0x5F000  }
0xb1: {  	[dreg:$0x5] =	wrdreg $0x9  }
0xb2: {  	_ =	task.clear_ibuf [dreg:s7], $0x6FFFF;
	_ =	strace $0x90000046  }
0xb3: {  	s29 =	simm.s32 $0x9;
	_ =	strace $0x80000048  }
0xb4: {  	_ =	swait.ge [sflag:s29], $0x1  }
0xb5: {  	[sflag:s29] =	ssyncadd.s32 $0xFFFFFFFF  }
0xb6: {  	_ =	strace $0x90000048  }
0xb7: {  	_ =	sfence  }
0xb8: {  	s30 =	sld [smem:$0x0];
	_ =	sdelay $0x2  }
0xb9: {  	s31 =	sshll.u32 s1, $0xD;
	s1 =	sshrl.u32 s1, $0x2  }
0xba: {  	s3 =	sand.u32 $0x4000, s31;
	s1 =	sadd.s32 s1, s30  }
0xbb: {  	s0 =	sor.u32 s3, s0;
	s1 =	sshll.u32 s1, $0x11  }
0xbc: {  	s0 =	sor.u32 s1, s0  }
0xbd: {  	s0 =	sadd.s32 $0x8F2B, s0  }
0xbe: {  	[sflag:s0] =	ssyncadd.remote.s32 $0x1  }
0xbf: {  	_ =	sfence.sel $0xFFFF  }
0xc0: {  	[dreg:$0x0] =	wrdreg $0xFFFFFFFF;
	(pc) =	sbr.abs _section_cstart, $3  }
0xc1: {  	[dreg:$0x1] =	wrdreg $0xFFFFFFFF  }
0xc2: {  	_ =	task.clear_ibuf [dreg:s7], $0x2FFFF;
	_ =	strace $0x9FFFFFFF  }
0xc3: {  	(tm) =	ssettm $0x7FFFFFFF  }
tec
execute0_lowered:
.L_overlay_start_1:
0x0: {  	(tag) =	ssettag $0x1  }
0x1: {  	s9 =	rddreg [dreg:$0x0]  }
0x2: {  	s4 =	rddreg [dreg:$0x1]  }
0x3: {  	s1 =	srdreg.scid;
	s0 =	stileid.u32  }
0x4: {  	s2 =	rddreg [dreg:$0x2];
	s3 =	simm.s32 $0x0;
	s14 =	simm.s32 $0x1  }
0x5: {  	s15 =	simm.s32 $0x80;
	s16 =	simm.s32 $0x4F00;
	s5 =	smul.u32 $0x4F0, s0  }
0x6: {  	s8 =	sand.u32 $0x1, s1;
	s1 =	rddreg [dreg:$0x3];
	s7 =	smul.u32 $0x9E00, s0  }
0x7: {  	[smem:$0x7FF] =	sst s3;
	s12 =	smul.u32 $0x9E0, s0;
	s17 =	sshll.u32 s0, $0x6  }
0x8: {  	s6 =	smul.u32 $0x4F00, s8;
	_ =	strace $0x80000047;
	s30 =	ssub.s32 $0x2, s8  }
0x9: {  	s13 =	smul.u32 $0x9E00, s8;
	s17 =	sor.u32 $0x1C01, s17;
	s7 =	sshrl.u32 s7, $0x2  }
0xa: {  	s31 =	sshrl.u32 s30, $0x1;
	s9 =	sadd.s32 s9, s12;
	s5 =	sadd.s32 s5, s6  }
0xb: {  	s11 =	ssub.s32 s30, s31;
	s12 =	sshrl.u32 s13, $0x2;
	s13 =	simm.s32 $0x5700  }
0xc: {  	s10 =	sadd.s32 s5, s4;
	s4 =	sadd.s32 s7, s2;
	s11 =	smax.u32 s11, $0x1  }
0xd: {  	s5 =	sadd.s32 $0x800, s4;
	s6 =	sadd.s32 $0x1000, s4;
	s7 =	sadd.s32 $0x1800, s4  }
0xe: {  	v0 =	vimm.f32 $1.000000000e+00;
	v1 =	vimm.f32 $0.0e+00;
	s8 =	sadd.s32 $0x2000, s4;
	s10 =	sadd.s32 $0x1800, s10;
	s18 =	sshrl.u32 s4, $0x3  }
.LBB2_1:
0xf: {  	s19 =	simm.s32 $0x40;
	s20 =	simm.s32 $0x0  }
.LBB2_2:
0x10: {  	p0 =	sne.s32 s19, $0x1FC0;
	[tilespmem:s20+$0x4F00] =	vst v0;
	s21 =	smov.u32 s19;
	s19 =	sadd.s32 $0x40, s19  }
.Ltmp0:
0x11: {  	[tilespmem:s20+$0x5700] =	vst v1;
	(pc) =	sbr.rel @p0 .LBB2_2-.Ltmp0, $2  }
0x12: {  	_ =	sdelay $0x2  }
0x13: {  	s20 =	sshra.s32 s21, $0x2  }
0x14: {  	[tilespmem:s20+$0x4F00] =	vst v0  }
0x15: {  	[tilespmem:s20+$0x5700] =	vst v1  }
0x16: {  	[spmem:s4] =	stream.linear.scatter [tilespmem:s13], [sflag:$0x1], $0x800, $0x38;
	[tilespmem:$0x8680] =	vst v63  }
0x17: {  	_ =	swait.ge [sflag:s14], $0x800  }
0x18: {  	[sflag:s14] =	ssyncset.done $0x0  }
0x19: {  	[sflag:s14] =	ssyncadd.s32 $0xFFFFF800  }
0x1a: {  	[spmem:s5] =	stream.linear.scatter [tilespmem:s13], [sflag:$0x1], $0x800, $0x38;
	[tilespmem:$0x8680] =	vst v63  }
0x1b: {  	_ =	swait.ge [sflag:s14], $0x800  }
0x1c: {  	[sflag:s14] =	ssyncset.done $0x0  }
0x1d: {  	[sflag:s14] =	ssyncadd.s32 $0xFFFFF800  }
0x1e: {  	[spmem:s6] =	stream.linear.scatter [tilespmem:s13], [sflag:$0x1], $0x800, $0x38;
	[tilespmem:$0x8680] =	vst v63  }
0x1f: {  	_ =	swait.ge [sflag:s14], $0x800  }
0x20: {  	[sflag:s14] =	ssyncset.done $0x0  }
0x21: {  	[sflag:s14] =	ssyncadd.s32 $0xFFFFF800  }
0x22: {  	[spmem:s7] =	stream.linear.scatter [tilespmem:s13], [sflag:$0x1], $0x800, $0x38;
	[tilespmem:$0x8680] =	vst v63  }
0x23: {  	_ =	swait.ge [sflag:s14], $0x800  }
0x24: {  	[sflag:s14] =	ssyncset.done $0x0  }
0x25: {  	[sflag:s14] =	ssyncadd.s32 $0xFFFFF800  }
0x26: {  	[spmem:s8] =	stream.linear.scatter [tilespmem:s13], [sflag:$0x1], $0x780, $0x38;
	[tilespmem:$0x8680] =	vst v63  }
0x27: {  	_ =	swait.ge [sflag:s14], $0x780  }
0x28: {  	[sflag:s14] =	ssyncset.done $0x0  }
0x29: {  	s19 =	simm.s32 $0x0;
	[sflag:s14] =	ssyncadd.s32 $0xFFFFF880  }
0x2a: {  	[tilespmem:s19], [sflag:$0x1] =	stream.linear.gather [hbm4b:s9+s19], $0x4F00, $0x38;
	[tilespmem:$0x8680] =	vst v63  }
0x2b: {  	_ =	swait.ge [sflag:s14], $0x4F00  }
0x2c: {  	[sflag:s14] =	ssyncset.done $0x0  }
0x2d: {  	[sflag:s14] =	ssyncadd.s32 $0xFFFFB100  }
0x2e: {  	s31 =	sadd.s32 $0x0, s12;
	[bflag:$0x0] =	sbarrier.arrive $0xFFFF  }
0x2f: {  	[spmem:s2] =	stream.indirect.scatter.add.f32 [tilespmem:s16], [sflag:$0x1], $0x10, s31, s15, $0xb8;
	[tilespmem:$0x8680] =	vst v63  }
0x30: {  	s19 =	simm.s32 $0x200;
	_ =	swait.ge [sflag:s14], $0x800  }
.LBB2_4:
0x31: {  	s20 =	sshra.s32 s19, $0x2;
	[sflag:s14] =	ssyncset.done $0x0;
	p0 =	sne.s32 s19, $0x9C00  }
.Ltmp1:
0x32: {  	s20 =	sadd.s32 s20, s12;
	[sflag:s14] =	ssyncadd.s32 $0xFFFFF800;
	(pc) =	sbr.rel @p0 .LBB2_4-.Ltmp1, $3  }
0x33: {  	[spmem:s2] =	stream.indirect.scatter.add.f32 [tilespmem:s16], [sflag:$0x1], $0x10, s20, s15, $0xb8;
	[tilespmem:$0x8680] =	vst v63  }
0x34: {  	s19 =	sadd.s32 $0x200, s19;
	_ =	sdelay $0x1  }
0x35: {  	_ =	swait.ge [sflag:s14], $0x800  }
0x36: {  	[sflag:s14] =	ssyncset.done $0x0;
	s3 =	sadd.s32 $0x1, s3  }
0x37: {  	[sflag:s14] =	ssyncadd.s32 $0xFFFFF800;
	p0 =	sne.s32 s3, s11  }
.Ltmp2:
0x38: {  	[bflag:$0x0] =	sbarrier.arrive $0xFFFF;
	(pc) =	sbr.rel @p0 .LBB2_1-.Ltmp2, $4  }
0x39: {  	[hbm:s10], [sflag:s17] =	dma.local [spmem:s18], $0x4F0  }
0x3a: {  	_ =	swait.ge [sflag:s14], $0x4F0  }
0x3b: {  	[sflag:s14] =	ssyncset.done $0x0  }
0x3c: {  	[sflag:s14] =	ssyncadd.s32 $0xFFFFFB10  }
0x3d: {  	_ =	sfence.sel $0x180000  }
0x3e: {  	[bflag:$0x0] =	sbarrier.arrive $0xFFFF  }
0x3f: {  	p0 =	sne.s32 s0, $0x0;
	_ =	strace $0x90000047  }
0x40: {  	s0 =	sadd.s32 @!p0 $0x100000, s1;
	[bflag:$0x2] =	sbarrier.arrive $0xFFFF  }
0x41: {  	[sflag:s0] =	ssyncadd.tile.s32 @!p0 $0x1;
	_ =	shalt  }
.Lfunc_end2:
_tile_overlayer_lowered:
.L_overlay_start_2:
0x42: {  	(tag) =	ssettag $0x2  }
0x43: {  	s0 =	rddreg [dreg:$0x0];
	s2 =	stileid.u32  }
0x44: {  	s1 =	rddreg [dreg:$0x1];
	p0 =	sne.s32 s2, $0x0  }
0x45: {  	s3 =	rddreg [dreg:$0x2];
	[bflag:$0x3] =	sbarrier.arrive $0xFFFF;
	s2 =	simm.s32 @!p0 $0x1C01  }
0x46: {  	[timem:s3], [sflag:s2] =	dma.local @!p0 [hbm:s0], s1  }
0x47: {  	s0 =	simm.s32 @!p0 $0x1  }
0x48: {  	_ =	swait.ge @!p0 [sflag:s0], s1  }
0x49: {  	s1 =	ssub.s32 @!p0 $0x0, s1;
	[sflag:s0] =	ssyncset.done @!p0 $0x0  }
0x4a: {  	[sflag:s0] =	ssyncadd.s32 @!p0 s1  }
0x4b: {  	[bflag:$0x3] =	sbarrier.arrive $0xFFFF  }
0x4c: {  	_ =	shalt  }

</sc_bundles>
